<compile_context>
chip_gen: v7x
topology: tpu7x:2x2x1
jax: 0.10.2.dev20260603
libtpu: 0.0.44.dev20260713+nightly
codegen_flags: <defaults>
</compile_context>

<pallas_src>
import functools

import jax
import jax.numpy as jnp
from jax import lax
from jax.experimental import pallas as pl
from jax.experimental.pallas import tpu as pltpu
from jax.experimental.pallas import tpu_sc as plsc

_N = 10000
_E = 320000
_D = 128
_NC = 2
_NS = 16
_NW = _NC * _NS
_CHUNK = 16
_NCHUNKS = _E // _CHUNK
_NBUF = 8
_LEAD = 4
_CPT = 628
_NCHUNK_PAD = _NW * _CPT
_EPAD = _NCHUNK_PAD * _CHUNK
_ACC_ROWS = _N + 8
_ROWS_PER_TILE = 624
_TAIL_ROW0 = _NS * _ROWS_PER_TILE
_TAIL_ROWS = _N - _TAIL_ROW0
_BN_EPS = 1e-5



def _sc_segment_sum(x, edge_attr, src1d, dst1d, zeros):
    mesh = plsc.VectorSubcoreMesh(core_axis_name="c", subcore_axis_name="s")

    nbuf = _NBUF
    lead = _LEAD
    nsx = nbuf // 2
    jobs = 2 * _CPT

    @functools.partial(
        pl.kernel,
        out_type=jax.ShapeDtypeStruct((_NC, _N, _D), jnp.float32),
        mesh=mesh,
        scratch_types=(
            [pltpu.VMEM((_CHUNK, _D), jnp.float32)] * nbuf +
            [pltpu.VMEM((_CHUNK,), jnp.int32)] * nsx +
            [pltpu.VMEM((_CHUNK,), jnp.int32)] * nbuf +
            [pltpu.VMEM_SHARED((_ACC_ROWS, _D), jnp.float32)] +
            [pltpu.SemaphoreType.DMA] * (nsx + 3 * nbuf)
        ),
    )
    def k(x_hbm, ea_hbm, src_hbm, dst_hbm, z_hbm, out_hbm, *sc):
        it = iter(sc)

        def take(n):
            return [next(it) for _ in range(n)]

        buf = take(nbuf)
        sidx = take(nsx)
        didx = take(nbuf)
        acc = take(1)[0]
        qs = take(nsx)
        qd = take(nbuf)
        isem = take(nbuf)
        osem = take(nbuf)
        c = lax.axis_index("c")
        s = lax.axis_index("s")
        wid = c * _NS + s
        chunk0 = wid * _CPT

        def eoff(jj):
            return pl.multiple_of((chunk0 + jj) * _CHUNK, _CHUNK)

        def real(jj):
            return chunk0 + jj < _NCHUNKS

        def fire_sidx(jj, sx):
            pltpu.async_copy(src_hbm.at[pl.ds(eoff(jj), _CHUNK)], sidx[sx],
                             qs[sx])

        def wait_sidx(sx):
            pltpu.make_async_copy(src_hbm.at[pl.ds(0, _CHUNK)], sidx[sx],
                                  qs[sx]).wait()

        def fire_didx(jj, B):
            pltpu.async_copy(dst_hbm.at[pl.ds(eoff(jj), _CHUNK)], didx[B],
                             qd[B])

        def wait_didx(B):
            pltpu.make_async_copy(dst_hbm.at[pl.ds(0, _CHUNK)], didx[B],
                                  qd[B]).wait()

        def fire_gather(jj, sx, B):
            wait_sidx(sx)
            pltpu.async_copy(x_hbm.at[sidx[sx]], buf[B], isem[B])
            fire_didx(jj, B)

        def fire_eload(jj, B):
            @pl.when(real(jj))
            def _():
                pltpu.async_copy(ea_hbm.at[pl.ds(eoff(jj), _CHUNK)], buf[B],
                                 isem[B])
                fire_didx(jj, B)

        def scatter(B):
            pltpu.make_async_copy(ea_hbm.at[pl.ds(0, _CHUNK)], buf[B],
                                  isem[B]).wait()
            wait_didx(B)
            pltpu.async_copy(buf[B], acc.at[didx[B]], osem[B], add=True)

        def drain(B):
            pltpu.make_async_copy(buf[B], acc.at[didx[B]], osem[B]).wait()

        for sx in range(nsx):
            fire_sidx(sx, sx)
        for tp in range(lead):
            jj = tp // 2
            if tp % 2 == 0:
                fire_gather(jj, jj % nsx, tp)
            else:
                fire_eload(jj, tp)

        row0 = s * _ROWS_PER_TILE
        pltpu.sync_copy(z_hbm.at[pl.ds(row0, _ROWS_PER_TILE)],
                        acc.at[pl.ds(row0, _ROWS_PER_TILE)])

        @pl.when(s == _NS - 1)
        def _():
            pltpu.sync_copy(z_hbm.at[pl.ds(_TAIL_ROW0, _TAIL_ROWS)],
                            acc.at[pl.ds(_TAIL_ROW0, _TAIL_ROWS)])

        plsc.subcore_barrier()

        def job(g, u):
            t = nbuf * g + u
            jj = (nbuf // 2) * g + u // 2
            B = u
            Bn = (u + lead) % nbuf
            dj = lead // 2

            @pl.when(t >= nbuf - lead)
            def _():
                if u % 2 == 0:
                    drain(Bn)
                else:
                    @pl.when(real(jj - (nbuf - lead) // 2))
                    def _():
                        drain(Bn)

            @pl.when(t + lead < jobs)
            def _():
                if u % 2 == 0:
                    fire_gather(jj + dj, (u // 2 + dj) % nsx, Bn)
                else:
                    fire_eload(jj + dj, Bn)

            if u % 2 == 0:
                scatter(B)
                @pl.when(jj + nsx < _CPT)
                def _():
                    fire_sidx(jj + nsx, u // 2)
            else:
                @pl.when(real(jj))
                def _():
                    scatter(B)

        def group(g, carry):
            for u in range(nbuf):
                job(g, u)
            return carry

        lax.fori_loop(0, jobs // nbuf, group, 0)

        for u in range(lead, nbuf):
            jj = _CPT + (u - nbuf) // 2
            if u % 2 == 0:
                drain(u)
            else:
                @pl.when(real(jj))
                def _():
                    drain(u)

        plsc.subcore_barrier()
        pltpu.sync_copy(acc.at[pl.ds(row0, _ROWS_PER_TILE)],
                        out_hbm.at[c].at[pl.ds(row0, _ROWS_PER_TILE)])

        @pl.when(s == _NS - 1)
        def _():
            pltpu.sync_copy(acc.at[pl.ds(_TAIL_ROW0, _TAIL_ROWS)],
                            out_hbm.at[c].at[pl.ds(_TAIL_ROW0, _TAIL_ROWS)])

    return k(x, edge_attr, src1d, dst1d, zeros)


def _tc_mlp(parts, x, w1, g1, b1, w2, g2, b2, eps):

    def body(p_ref, x_ref, w1_ref, g1_ref, b1_ref, w2_ref, g2_ref, b2_ref,
             eps_ref, o_ref):
        scale = 1.0 + eps_ref[...]
        h = p_ref[0] + p_ref[1] + scale * x_ref[...]
        z = jnp.dot(h, w1_ref[...], preferred_element_type=jnp.float32)
        mu = jnp.mean(z, axis=0, keepdims=True)
        zc = z - mu
        var = jnp.mean(zc * zc, axis=0, keepdims=True)
        a = jnp.maximum(g1_ref[...] * zc * lax.rsqrt(var + _BN_EPS)
                        + b1_ref[...], 0.0)
        z2 = jnp.dot(a, w2_ref[...], preferred_element_type=jnp.float32)
        mu2 = jnp.mean(z2, axis=0, keepdims=True)
        zc2 = z2 - mu2
        var2 = jnp.mean(zc2 * zc2, axis=0, keepdims=True)
        o_ref[...] = jnp.maximum(g2_ref[...] * zc2 * lax.rsqrt(var2 + _BN_EPS)
                                 + b2_ref[...], 0.0)

    return pl.pallas_call(
        body,
        out_shape=jax.ShapeDtypeStruct((_N, _D), jnp.float32),
    )(parts, x, w1, g1, b1, w2, g2, b2, eps)


def kernel(node_rep, edge_attr, degree, W1, g1, b1, W2, g2, b2, epsilon,
           edge_index):
    del degree
    src = edge_index[0].astype(jnp.int32)
    dst = edge_index[1].astype(jnp.int32)
    npad = _EPAD - _E
    src1d = jnp.concatenate([src, jnp.zeros((npad,), jnp.int32)])
    dst1d = jnp.concatenate([dst, jnp.full((npad,), _N, jnp.int32)])
    zeros = jnp.zeros((_N, _D), jnp.float32)
    parts = _sc_segment_sum(node_rep, edge_attr, src1d, dst1d, zeros)
    return _tc_mlp(parts, node_rep,
                   W1, g1.reshape(1, -1), b1.reshape(1, -1),
                   W2, g2.reshape(1, -1), b2.reshape(1, -1),
                   epsilon.reshape(1, 1))

# --- scband reference (transcript-rebuilt; emitter-appended) ---
"""Pipeline reference for scband-node-node-50869592655513 (READ-ONLY COPY).

The authoritative reference and input builder live on the scoring server;
editing this copy changes nothing except your own understanding.
"""

import jax, jax.numpy as jnp
import numpy as np

N = 10000
E = 320000
D = 128
BN_EPS = 1e-5


def _batch_norm(h, gamma, beta):
    # torch BatchNorm1d in training mode: biased variance over the batch dim
    mean = jnp.mean(h, axis=0)
    var = jnp.var(h, axis=0)
    return gamma * (h - mean) / jnp.sqrt(var + BN_EPS) + beta


def setup_inputs(seed: int = 0) -> dict:
    key = jax.random.key(seed)
    ks = jax.random.split(key, 8)
    x = jax.random.normal(ks[0], (N, D), dtype=jnp.float32)
    edge_index = jax.random.randint(ks[1], (2, E), 0, N, dtype=jnp.int64)
    edge_attr = jax.random.normal(ks[2], (E, D), dtype=jnp.float32)
    # data.degree: in-degree of each node w.r.t. the message-aggregation target
    degree = jnp.bincount(edge_index[1], length=N).astype(jnp.float32)
    # node_mlp params: Linear(D, 2D, bias=False), BN(2D), ReLU, Linear(2D, D, bias=False), BN(D), ReLU
    W1 = jax.random.normal(ks[3], (D, 2 * D), dtype=jnp.float32) * (1.0 / np.sqrt(D))
    g1 = jnp.ones((2 * D,), dtype=jnp.float32)
    b1 = jnp.zeros((2 * D,), dtype=jnp.float32)
    W2 = jax.random.normal(ks[4], (2 * D, D), dtype=jnp.float32) * (1.0 / np.sqrt(2 * D))
    g2 = jnp.ones((D,), dtype=jnp.float32)
    b2 = jnp.zeros((D,), dtype=jnp.float32)
    epsilon = jnp.zeros((1,), dtype=jnp.float32)
    return {"node_rep": x, "edge_attr": edge_attr, "degree": degree,
            "W1": W1, "g1": g1, "b1": b1, "W2": W2, "g2": g2, "b2": b2,
            "epsilon": epsilon, "edge_index": edge_index}


def reference(node_rep, edge_attr, degree, W1, g1, b1, W2, g2, b2, epsilon, edge_index):
    src = edge_index[0]
    dst = edge_index[1]
    # node -> edge gather (0th-order ptensor gather: sum node features over the edge's atoms)
    node2edge = node_rep[src] + node_rep[dst]
    node2edge = edge_attr + node2edge
    # edge -> node gather (sum over incident edges at the dst node)
    node_new = jax.ops.segment_sum(node2edge, dst, num_segments=N)
    h = node_new + (1.0 + epsilon - degree.reshape((-1, 1))) * node_rep
    h = jnp.maximum(_batch_norm(h @ W1, g1, b1), 0.0)
    h = jnp.maximum(_batch_norm(h @ W2, g2, b2), 0.0)
    return h

if __name__ == "__main__":
    import jax
    _d = setup_inputs()
    print(jax.jit(kernel)(*tuple(_d.values())))

</pallas_src>

<mosaic_0001>
#map = affine_map<(d0, d1) -> (0, 0)>
#map1 = affine_map<(d0, d1) -> (0)>
#map2 = affine_map<(d0, d1) -> (0, 0, 0)>
module attributes {stable_mosaic.version = 14 : i64} {
  func.func @k(%arg0: i32, %arg1: i32, %arg2: memref<10000x128xf32, #tpu.memory_space<hbm>>, %arg3: memref<320000x128xf32, #tpu.memory_space<hbm>>, %arg4: memref<321536xi32, #tpu.memory_space<hbm>>, %arg5: memref<321536xi32, #tpu.memory_space<hbm>>, %arg6: memref<10000x128xf32, #tpu.memory_space<hbm>>, %arg7: memref<2x10000x128xf32, #tpu.memory_space<hbm>>, %arg8: memref<16x128xf32, #tpu.memory_space<vmem>>, %arg9: memref<16x128xf32, #tpu.memory_space<vmem>>, %arg10: memref<16x128xf32, #tpu.memory_space<vmem>>, %arg11: memref<16x128xf32, #tpu.memory_space<vmem>>, %arg12: memref<16x128xf32, #tpu.memory_space<vmem>>, %arg13: memref<16x128xf32, #tpu.memory_space<vmem>>, %arg14: memref<16x128xf32, #tpu.memory_space<vmem>>, %arg15: memref<16x128xf32, #tpu.memory_space<vmem>>, %arg16: memref<16xi32, #tpu.memory_space<vmem>>, %arg17: memref<16xi32, #tpu.memory_space<vmem>>, %arg18: memref<16xi32, #tpu.memory_space<vmem>>, %arg19: memref<16xi32, #tpu.memory_space<vmem>>, %arg20: memref<16xi32, #tpu.memory_space<vmem>>, %arg21: memref<16xi32, #tpu.memory_space<vmem>>, %arg22: memref<16xi32, #tpu.memory_space<vmem>>, %arg23: memref<16xi32, #tpu.memory_space<vmem>>, %arg24: memref<16xi32, #tpu.memory_space<vmem>>, %arg25: memref<16xi32, #tpu.memory_space<vmem>>, %arg26: memref<16xi32, #tpu.memory_space<vmem>>, %arg27: memref<16xi32, #tpu.memory_space<vmem>>, %arg28: memref<10008x128xf32, #tpu.memory_space<vmem_shared>>, %arg29: memref<!tpu.dma_semaphore, #tpu.memory_space<semaphore_mem>>, %arg30: memref<!tpu.dma_semaphore, #tpu.memory_space<semaphore_mem>>, %arg31: memref<!tpu.dma_semaphore, #tpu.memory_space<semaphore_mem>>, %arg32: memref<!tpu.dma_semaphore, #tpu.memory_space<semaphore_mem>>, %arg33: memref<!tpu.dma_semaphore, #tpu.memory_space<semaphore_mem>>, %arg34: memref<!tpu.dma_semaphore, #tpu.memory_space<semaphore_mem>>, %arg35: memref<!tpu.dma_semaphore, #tpu.memory_space<semaphore_mem>>, %arg36: memref<!tpu.dma_semaphore, #tpu.memory_space<semaphore_mem>>, %arg37: memref<!tpu.dma_semaphore, #tpu.memory_space<semaphore_mem>>, %arg38: memref<!tpu.dma_semaphore, #tpu.memory_space<semaphore_mem>>, %arg39: memref<!tpu.dma_semaphore, #tpu.memory_space<semaphore_mem>>, %arg40: memref<!tpu.dma_semaphore, #tpu.memory_space<semaphore_mem>>, %arg41: memref<!tpu.dma_semaphore, #tpu.memory_space<semaphore_mem>>, %arg42: memref<!tpu.dma_semaphore, #tpu.memory_space<semaphore_mem>>, %arg43: memref<!tpu.dma_semaphore, #tpu.memory_space<semaphore_mem>>, %arg44: memref<!tpu.dma_semaphore, #tpu.memory_space<semaphore_mem>>, %arg45: memref<!tpu.dma_semaphore, #tpu.memory_space<semaphore_mem>>, %arg46: memref<!tpu.dma_semaphore, #tpu.memory_space<semaphore_mem>>, %arg47: memref<!tpu.dma_semaphore, #tpu.memory_space<semaphore_mem>>, %arg48: memref<!tpu.dma_semaphore, #tpu.memory_space<semaphore_mem>>, %arg49: memref<!tpu.dma_semaphore, #tpu.memory_space<semaphore_mem>>, %arg50: memref<!tpu.dma_semaphore, #tpu.memory_space<semaphore_mem>>, %arg51: memref<!tpu.dma_semaphore, #tpu.memory_space<semaphore_mem>>, %arg52: memref<!tpu.dma_semaphore, #tpu.memory_space<semaphore_mem>>, %arg53: memref<!tpu.dma_semaphore, #tpu.memory_space<semaphore_mem>>, %arg54: memref<!tpu.dma_semaphore, #tpu.memory_space<semaphore_mem>>, %arg55: memref<!tpu.dma_semaphore, #tpu.memory_space<semaphore_mem>>, %arg56: memref<!tpu.dma_semaphore, #tpu.memory_space<semaphore_mem>>) attributes {dimension_semantics = [#tpu.dimension_semantics<core_parallel>, #tpu.dimension_semantics<subcore_parallel>], iteration_bounds = array<i64: 2, 16>, scalar_prefetch = 0 : i64, scratch_operands = 49 : i64, tpu.core_type = #tpu.core_type<sc_vector_subcore>, window_params = [{transform_indices = #map}, {transform_indices = #map}, {transform_indices = #map1}, {transform_indices = #map1}, {transform_indices = #map}, {transform_indices = #map2}]} {
    %mul3A = arith.constant 16 : i32
    %mul3A_0 = arith.muli %arg0, %mul3A : i32
    %add3A = arith.addi %mul3A_0, %arg1 : i32
    %mul3A_1 = arith.constant 628 : i32
    %mul3A_2 = arith.muli %add3A, %mul3A_1 : i32
    %add3A_3 = arith.constant 0 : i32
    %add3A_4 = arith.addi %mul3A_2, %add3A_3 : i32
    %mul3A_5 = arith.constant 16 : i32
    %mul3A_6 = arith.muli %add3A_4, %mul3A_5 : i32
    %multiple_of3A = tpu.assume_multiple %mul3A_6, 16 : i32
    %dma_start3A = tpu.memref_slice %arg4[%multiple_of3A] : memref<321536xi32, #tpu.memory_space<hbm>> -> memref<16xi32, #tpu.memory_space<hbm>>
    %dma_start3A_7 = tpu.memref_slice %arg4[%multiple_of3A] : memref<321536xi32, #tpu.memory_space<hbm>> -> memref<16xi32, #tpu.memory_space<hbm>>
    tpu.enqueue_dma source(%dma_start3A_7 : memref<16xi32, #tpu.memory_space<hbm>>) target(%arg16 : memref<16xi32, #tpu.memory_space<vmem>>) target_semaphore(%arg29 : memref<!tpu.dma_semaphore, #tpu.memory_space<semaphore_mem>>)
    %add3A_8 = arith.constant 1 : i32
    %add3A_9 = arith.addi %mul3A_2, %add3A_8 : i32
    %mul3A_10 = arith.constant 16 : i32
    %mul3A_11 = arith.muli %add3A_9, %mul3A_10 : i32
    %multiple_of3A_12 = tpu.assume_multiple %mul3A_11, 16 : i32
    %dma_start3A_13 = tpu.memref_slice %arg4[%multiple_of3A_12] : memref<321536xi32, #tpu.memory_space<hbm>> -> memref<16xi32, #tpu.memory_space<hbm>>
    %dma_start3A_14 = tpu.memref_slice %arg4[%multiple_of3A_12] : memref<321536xi32, #tpu.memory_space<hbm>> -> memref<16xi32, #tpu.memory_space<hbm>>
    tpu.enqueue_dma source(%dma_start3A_14 : memref<16xi32, #tpu.memory_space<hbm>>) target(%arg17 : memref<16xi32, #tpu.memory_space<vmem>>) target_semaphore(%arg30 : memref<!tpu.dma_semaphore, #tpu.memory_space<semaphore_mem>>)
    %add3A_15 = arith.constant 2 : i32
    %add3A_16 = arith.addi %mul3A_2, %add3A_15 : i32
    %mul3A_17 = arith.constant 16 : i32
    %mul3A_18 = arith.muli %add3A_16, %mul3A_17 : i32
    %multiple_of3A_19 = tpu.assume_multiple %mul3A_18, 16 : i32
    %dma_start3A_20 = tpu.memref_slice %arg4[%multiple_of3A_19] : memref<321536xi32, #tpu.memory_space<hbm>> -> memref<16xi32, #tpu.memory_space<hbm>>
    %dma_start3A_21 = tpu.memref_slice %arg4[%multiple_of3A_19] : memref<321536xi32, #tpu.memory_space<hbm>> -> memref<16xi32, #tpu.memory_space<hbm>>
    tpu.enqueue_dma source(%dma_start3A_21 : memref<16xi32, #tpu.memory_space<hbm>>) target(%arg18 : memref<16xi32, #tpu.memory_space<vmem>>) target_semaphore(%arg31 : memref<!tpu.dma_semaphore, #tpu.memory_space<semaphore_mem>>)
    %add3A_22 = arith.constant 3 : i32
    %add3A_23 = arith.addi %mul3A_2, %add3A_22 : i32
    %mul3A_24 = arith.constant 16 : i32
    %mul3A_25 = arith.muli %add3A_23, %mul3A_24 : i32
    %multiple_of3A_26 = tpu.assume_multiple %mul3A_25, 16 : i32
    %dma_start3A_27 = tpu.memref_slice %arg4[%multiple_of3A_26] : memref<321536xi32, #tpu.memory_space<hbm>> -> memref<16xi32, #tpu.memory_space<hbm>>
    %dma_start3A_28 = tpu.memref_slice %arg4[%multiple_of3A_26] : memref<321536xi32, #tpu.memory_space<hbm>> -> memref<16xi32, #tpu.memory_space<hbm>>
    tpu.enqueue_dma source(%dma_start3A_28 : memref<16xi32, #tpu.memory_space<hbm>>) target(%arg19 : memref<16xi32, #tpu.memory_space<vmem>>) target_semaphore(%arg32 : memref<!tpu.dma_semaphore, #tpu.memory_space<semaphore_mem>>)
    %dma_wait3A = arith.constant 0 : i32
    %dma_wait3A_29 = tpu.memref_slice %arg4[%dma_wait3A] : memref<321536xi32, #tpu.memory_space<hbm>> -> memref<16xi32, #tpu.memory_space<hbm>>
    %dma_wait3A_30 = arith.constant 0 : i32
    %dma_wait3A_31 = tpu.memref_slice %arg4[%dma_wait3A_30] : memref<321536xi32, #tpu.memory_space<hbm>> -> memref<16xi32, #tpu.memory_space<hbm>>
    tpu.wait_dma2 semaphore(%arg29 : memref<!tpu.dma_semaphore, #tpu.memory_space<semaphore_mem>>) src(%dma_wait3A_31 : memref<16xi32, #tpu.memory_space<hbm>>) dst(%arg16 : memref<16xi32, #tpu.memory_space<vmem>>)
    %dma_start3A_32 = arith.constant 0 : i32
    %dma_start3A_33 = arith.constant 0 : i32
    %dma_start3A_34 = tpu.memref_slice %arg2[%dma_start3A_32, %dma_start3A_33] : memref<10000x128xf32, #tpu.memory_space<hbm>> -> memref<10000x128xf32, #tpu.memory_space<hbm>>
    tpu.enqueue_indirect_dma source(%dma_start3A_34 : memref<10000x128xf32, #tpu.memory_space<hbm>>) target(%arg8 : memref<16x128xf32, #tpu.memory_space<vmem>>) offsets(%arg16 : memref<16xi32, #tpu.memory_space<vmem>>) semaphore(%arg41 : memref<!tpu.dma_semaphore, #tpu.memory_space<semaphore_mem>>)
    %add3A_35 = arith.constant 0 : i32
    %add3A_36 = arith.addi %mul3A_2, %add3A_35 : i32
    %mul3A_37 = arith.constant 16 : i32
    %mul3A_38 = arith.muli %add3A_36, %mul3A_37 : i32
    %multiple_of3A_39 = tpu.assume_multiple %mul3A_38, 16 : i32
    %dma_start3A_40 = tpu.memref_slice %arg5[%multiple_of3A_39] : memref<321536xi32, #tpu.memory_space<hbm>> -> memref<16xi32, #tpu.memory_space<hbm>>
    %dma_start3A_41 = tpu.memref_slice %arg5[%multiple_of3A_39] : memref<321536xi32, #tpu.memory_space<hbm>> -> memref<16xi32, #tpu.memory_space<hbm>>
    tpu.enqueue_dma source(%dma_start3A_41 : memref<16xi32, #tpu.memory_space<hbm>>) target(%arg20 : memref<16xi32, #tpu.memory_space<vmem>>) target_semaphore(%arg33 : memref<!tpu.dma_semaphore, #tpu.memory_space<semaphore_mem>>)
    %add3A_42 = arith.constant 0 : i32
    %add3A_43 = arith.addi %mul3A_2, %add3A_42 : i32
    %lt3A = arith.constant 20000 : i32
    %lt3A_44 = arith.cmpi slt, %add3A_43, %lt3A : i32
    %convert_element_type3A = arith.extui %lt3A_44 : i1 to i32
    %cond3A = arith.constant 0 : i32
    %cond3A_45 = arith.cmpi ne, %convert_element_type3A, %cond3A : i32
    scf.if %cond3A_45 {
      %add3A_104 = arith.constant 0 : i32
      %add3A_105 = arith.addi %mul3A_2, %add3A_104 : i32
      %mul3A_106 = arith.constant 16 : i32
      %mul3A_107 = arith.muli %add3A_105, %mul3A_106 : i32
      %multiple_of3A_108 = tpu.assume_multiple %mul3A_107, 16 : i32
      %dma_start3A_109 = arith.constant 0 : i32
      %dma_start3A_110 = tpu.memref_slice %arg3[%multiple_of3A_108, %dma_start3A_109] : memref<320000x128xf32, #tpu.memory_space<hbm>> -> memref<16x128xf32, #tpu.memory_space<hbm>>
      %dma_start3A_111 = arith.constant 0 : i32
      %dma_start3A_112 = tpu.memref_slice %arg3[%multiple_of3A_108, %dma_start3A_111] : memref<320000x128xf32, #tpu.memory_space<hbm>> -> memref<16x128xf32, #tpu.memory_space<hbm>>
      tpu.enqueue_dma source(%dma_start3A_112 : memref<16x128xf32, #tpu.memory_space<hbm>>) target(%arg9 : memref<16x128xf32, #tpu.memory_space<vmem>>) target_semaphore(%arg42 : memref<!tpu.dma_semaphore, #tpu.memory_space<semaphore_mem>>)
      %add3A_113 = arith.constant 0 : i32
      %add3A_114 = arith.addi %mul3A_2, %add3A_113 : i32
      %mul3A_115 = arith.constant 16 : i32
      %mul3A_116 = arith.muli %add3A_114, %mul3A_115 : i32
      %multiple_of3A_117 = tpu.assume_multiple %mul3A_116, 16 : i32
      %dma_start3A_118 = tpu.memref_slice %arg5[%multiple_of3A_117] : memref<321536xi32, #tpu.memory_space<hbm>> -> memref<16xi32, #tpu.memory_space<hbm>>
      %dma_start3A_119 = tpu.memref_slice %arg5[%multiple_of3A_117] : memref<321536xi32, #tpu.memory_space<hbm>> -> memref<16xi32, #tpu.memory_space<hbm>>
      tpu.enqueue_dma source(%dma_start3A_119 : memref<16xi32, #tpu.memory_space<hbm>>) target(%arg21 : memref<16xi32, #tpu.memory_space<vmem>>) target_semaphore(%arg34 : memref<!tpu.dma_semaphore, #tpu.memory_space<semaphore_mem>>)
    } else {
    }
    %dma_wait3A_46 = arith.constant 0 : i32
    %dma_wait3A_47 = tpu.memref_slice %arg4[%dma_wait3A_46] : memref<321536xi32, #tpu.memory_space<hbm>> -> memref<16xi32, #tpu.memory_space<hbm>>
    %dma_wait3A_48 = arith.constant 0 : i32
    %dma_wait3A_49 = tpu.memref_slice %arg4[%dma_wait3A_48] : memref<321536xi32, #tpu.memory_space<hbm>> -> memref<16xi32, #tpu.memory_space<hbm>>
    tpu.wait_dma2 semaphore(%arg30 : memref<!tpu.dma_semaphore, #tpu.memory_space<semaphore_mem>>) src(%dma_wait3A_49 : memref<16xi32, #tpu.memory_space<hbm>>) dst(%arg17 : memref<16xi32, #tpu.memory_space<vmem>>)
    %dma_start3A_50 = arith.constant 0 : i32
    %dma_start3A_51 = arith.constant 0 : i32
    %dma_start3A_52 = tpu.memref_slice %arg2[%dma_start3A_50, %dma_start3A_51] : memref<10000x128xf32, #tpu.memory_space<hbm>> -> memref<10000x128xf32, #tpu.memory_space<hbm>>
    tpu.enqueue_indirect_dma source(%dma_start3A_52 : memref<10000x128xf32, #tpu.memory_space<hbm>>) target(%arg10 : memref<16x128xf32, #tpu.memory_space<vmem>>) offsets(%arg17 : memref<16xi32, #tpu.memory_space<vmem>>) semaphore(%arg43 : memref<!tpu.dma_semaphore, #tpu.memory_space<semaphore_mem>>)
    %add3A_53 = arith.constant 1 : i32
    %add3A_54 = arith.addi %mul3A_2, %add3A_53 : i32
    %mul3A_55 = arith.constant 16 : i32
    %mul3A_56 = arith.muli %add3A_54, %mul3A_55 : i32
    %multiple_of3A_57 = tpu.assume_multiple %mul3A_56, 16 : i32
    %dma_start3A_58 = tpu.memref_slice %arg5[%multiple_of3A_57] : memref<321536xi32, #tpu.memory_space<hbm>> -> memref<16xi32, #tpu.memory_space<hbm>>
    %dma_start3A_59 = tpu.memref_slice %arg5[%multiple_of3A_57] : memref<321536xi32, #tpu.memory_space<hbm>> -> memref<16xi32, #tpu.memory_space<hbm>>
    tpu.enqueue_dma source(%dma_start3A_59 : memref<16xi32, #tpu.memory_space<hbm>>) target(%arg22 : memref<16xi32, #tpu.memory_space<vmem>>) target_semaphore(%arg35 : memref<!tpu.dma_semaphore, #tpu.memory_space<semaphore_mem>>)
    %add3A_60 = arith.constant 1 : i32
    %add3A_61 = arith.addi %mul3A_2, %add3A_60 : i32
    %lt3A_62 = arith.constant 20000 : i32
    %lt3A_63 = arith.cmpi slt, %add3A_61, %lt3A_62 : i32
    %convert_element_type3A_64 = arith.extui %lt3A_63 : i1 to i32
    %cond3A_65 = arith.constant 0 : i32
    %cond3A_66 = arith.cmpi ne, %convert_element_type3A_64, %cond3A_65 : i32
    scf.if %cond3A_66 {
      %add3A_104 = arith.constant 1 : i32
      %add3A_105 = arith.addi %mul3A_2, %add3A_104 : i32
      %mul3A_106 = arith.constant 16 : i32
      %mul3A_107 = arith.muli %add3A_105, %mul3A_106 : i32
      %multiple_of3A_108 = tpu.assume_multiple %mul3A_107, 16 : i32
      %dma_start3A_109 = arith.constant 0 : i32
      %dma_start3A_110 = tpu.memref_slice %arg3[%multiple_of3A_108, %dma_start3A_109] : memref<320000x128xf32, #tpu.memory_space<hbm>> -> memref<16x128xf32, #tpu.memory_space<hbm>>
      %dma_start3A_111 = arith.constant 0 : i32
      %dma_start3A_112 = tpu.memref_slice %arg3[%multiple_of3A_108, %dma_start3A_111] : memref<320000x128xf32, #tpu.memory_space<hbm>> -> memref<16x128xf32, #tpu.memory_space<hbm>>
      tpu.enqueue_dma source(%dma_start3A_112 : memref<16x128xf32, #tpu.memory_space<hbm>>) target(%arg11 : memref<16x128xf32, #tpu.memory_space<vmem>>) target_semaphore(%arg44 : memref<!tpu.dma_semaphore, #tpu.memory_space<semaphore_mem>>)
      %add3A_113 = arith.constant 1 : i32
      %add3A_114 = arith.addi %mul3A_2, %add3A_113 : i32
      %mul3A_115 = arith.constant 16 : i32
      %mul3A_116 = arith.muli %add3A_114, %mul3A_115 : i32
      %multiple_of3A_117 = tpu.assume_multiple %mul3A_116, 16 : i32
      %dma_start3A_118 = tpu.memref_slice %arg5[%multiple_of3A_117] : memref<321536xi32, #tpu.memory_space<hbm>> -> memref<16xi32, #tpu.memory_space<hbm>>
      %dma_start3A_119 = tpu.memref_slice %arg5[%multiple_of3A_117] : memref<321536xi32, #tpu.memory_space<hbm>> -> memref<16xi32, #tpu.memory_space<hbm>>
      tpu.enqueue_dma source(%dma_start3A_119 : memref<16xi32, #tpu.memory_space<hbm>>) target(%arg23 : memref<16xi32, #tpu.memory_space<vmem>>) target_semaphore(%arg36 : memref<!tpu.dma_semaphore, #tpu.memory_space<semaphore_mem>>)
    } else {
    }
    %mul3A_67 = arith.constant 624 : i32
    %mul3A_68 = arith.muli %arg1, %mul3A_67 : i32
    "tpu.region"() ({
      %run_scoped3A = tpu.sem_alloc : memref<!tpu.dma_semaphore, #tpu.memory_space<semaphore_mem>>
      %dma_start3A_104 = arith.constant 0 : i32
      %dma_start3A_105 = tpu.memref_slice %arg28[%mul3A_68, %dma_start3A_104] : memref<10008x128xf32, #tpu.memory_space<vmem_shared>> -> memref<624x128xf32, #tpu.memory_space<vmem_shared>>
      %dma_start3A_106 = arith.constant 0 : i32
      %dma_start3A_107 = tpu.memref_slice %arg6[%mul3A_68, %dma_start3A_106] : memref<10000x128xf32, #tpu.memory_space<hbm>> -> memref<624x128xf32, #tpu.memory_space<hbm>>
      tpu.enqueue_dma source(%dma_start3A_107 : memref<624x128xf32, #tpu.memory_space<hbm>>) target(%dma_start3A_105 : memref<624x128xf32, #tpu.memory_space<vmem_shared>>) target_semaphore(%run_scoped3A : memref<!tpu.dma_semaphore, #tpu.memory_space<semaphore_mem>>)
      %dma_wait3A_108 = arith.constant 0 : i32
      %dma_wait3A_109 = tpu.memref_slice %arg28[%mul3A_68, %dma_wait3A_108] : memref<10008x128xf32, #tpu.memory_space<vmem_shared>> -> memref<624x128xf32, #tpu.memory_space<vmem_shared>>
      %dma_wait3A_110 = arith.constant 0 : i32
      %dma_wait3A_111 = tpu.memref_slice %arg6[%mul3A_68, %dma_wait3A_110] : memref<10000x128xf32, #tpu.memory_space<hbm>> -> memref<624x128xf32, #tpu.memory_space<hbm>>
      tpu.wait_dma2 semaphore(%run_scoped3A : memref<!tpu.dma_semaphore, #tpu.memory_space<semaphore_mem>>) src(%dma_wait3A_111 : memref<624x128xf32, #tpu.memory_space<hbm>>) dst(%dma_wait3A_109 : memref<624x128xf32, #tpu.memory_space<vmem_shared>>)
      tpu.yield
    }) : () -> ()
    %eq3A = arith.constant 15 : i32
    %eq3A_69 = arith.cmpi eq, %arg1, %eq3A : i32
    %convert_element_type3A_70 = arith.extui %eq3A_69 : i1 to i32
    %cond3A_71 = arith.constant 0 : i32
    %cond3A_72 = arith.cmpi ne, %convert_element_type3A_70, %cond3A_71 : i32
    scf.if %cond3A_72 {
      "tpu.region"() ({
        %run_scoped3A = tpu.sem_alloc : memref<!tpu.dma_semaphore, #tpu.memory_space<semaphore_mem>>
        %dma_start3A_104 = arith.constant 9984 : i32
        %dma_start3A_105 = arith.constant 0 : i32
        %dma_start3A_106 = tpu.memref_slice %arg28[%dma_start3A_104, %dma_start3A_105] : memref<10008x128xf32, #tpu.memory_space<vmem_shared>> -> memref<16x128xf32, #tpu.memory_space<vmem_shared>>
        %dma_start3A_107 = arith.constant 9984 : i32
        %dma_start3A_108 = arith.constant 0 : i32
        %dma_start3A_109 = tpu.memref_slice %arg6[%dma_start3A_107, %dma_start3A_108] : memref<10000x128xf32, #tpu.memory_space<hbm>> -> memref<16x128xf32, #tpu.memory_space<hbm>>
        tpu.enqueue_dma source(%dma_start3A_109 : memref<16x128xf32, #tpu.memory_space<hbm>>) target(%dma_start3A_106 : memref<16x128xf32, #tpu.memory_space<vmem_shared>>) target_semaphore(%run_scoped3A : memref<!tpu.dma_semaphore, #tpu.memory_space<semaphore_mem>>)
        %dma_wait3A_110 = arith.constant 9984 : i32
        %dma_wait3A_111 = arith.constant 0 : i32
        %dma_wait3A_112 = tpu.memref_slice %arg28[%dma_wait3A_110, %dma_wait3A_111] : memref<10008x128xf32, #tpu.memory_space<vmem_shared>> -> memref<16x128xf32, #tpu.memory_space<vmem_shared>>
        %dma_wait3A_113 = arith.constant 9984 : i32
        %dma_wait3A_114 = arith.constant 0 : i32
        %dma_wait3A_115 = tpu.memref_slice %arg6[%dma_wait3A_113, %dma_wait3A_114] : memref<10000x128xf32, #tpu.memory_space<hbm>> -> memref<16x128xf32, #tpu.memory_space<hbm>>
        tpu.wait_dma2 semaphore(%run_scoped3A : memref<!tpu.dma_semaphore, #tpu.memory_space<semaphore_mem>>) src(%dma_wait3A_115 : memref<16x128xf32, #tpu.memory_space<hbm>>) dst(%dma_wait3A_112 : memref<16x128xf32, #tpu.memory_space<vmem_shared>>)
        tpu.yield
      }) : () -> ()
    } else {
    }
    %barrier3A = arith.constant 0 : index
    tpu.barrier barrier_id(%barrier3A)
    %scan3A = arith.constant 0 : i32
    %scan3A_73 = arith.constant 0 : i32
    %scan3A_74 = arith.constant 157 : i32
    %scan3A_75 = arith.addi %scan3A_73, %scan3A_74 : i32
    %scan3A_76 = arith.constant 1 : i32
    scf.for %scan3A_104 = %scan3A_73 to %scan3A_75 step %scan3A_76  : i32 {
      %mul3A_105 = arith.constant 8 : i32
      %mul3A_106 = arith.muli %mul3A_105, %scan3A_104 : i32
      %add3A_107 = arith.constant 0 : i32
      %add3A_108 = arith.addi %mul3A_106, %add3A_107 : i32
      %mul3A_109 = arith.constant 4 : i32
      %mul3A_110 = arith.muli %mul3A_109, %scan3A_104 : i32
      %add3A_111 = arith.constant 0 : i32
      %add3A_112 = arith.addi %mul3A_110, %add3A_111 : i32
      %ge3A = arith.constant 4 : i32
      %ge3A_113 = arith.cmpi sge, %add3A_108, %ge3A : i32
      %convert_element_type3A_114 = arith.extui %ge3A_113 : i1 to i32
      %cond3A_115 = arith.constant 0 : i32
      %cond3A_116 = arith.cmpi ne, %convert_element_type3A_114, %cond3A_115 : i32
      scf.if %cond3A_116 {
        %dma_wait3A_368 = arith.constant 0 : i32
        %dma_wait3A_369 = arith.constant 0 : i32
        %dma_wait3A_370 = tpu.memref_slice %arg28[%dma_wait3A_368, %dma_wait3A_369] : memref<10008x128xf32, #tpu.memory_space<vmem_shared>> -> memref<10008x128xf32, #tpu.memory_space<vmem_shared>>
        tpu.wait_indirect_dma semaphore(%arg53 : memref<!tpu.dma_semaphore, #tpu.memory_space<semaphore_mem>>) src(%arg12 : memref<16x128xf32, #tpu.memory_space<vmem>>) dst(%dma_wait3A_370 : memref<10008x128xf32, #tpu.memory_space<vmem_shared>>)
      } else {
      }
      %add3A_117 = arith.constant 4 : i32
      %add3A_118 = arith.addi %add3A_108, %add3A_117 : i32
      %lt3A_119 = arith.constant 1256 : i32
      %lt3A_120 = arith.cmpi slt, %add3A_118, %lt3A_119 : i32
      %convert_element_type3A_121 = arith.extui %lt3A_120 : i1 to i32
      %cond3A_122 = arith.constant 0 : i32
      %cond3A_123 = arith.cmpi ne, %convert_element_type3A_121, %cond3A_122 : i32
      scf.if %cond3A_123 {
        %add3A_368 = arith.constant 2 : i32
        %add3A_369 = arith.addi %add3A_112, %add3A_368 : i32
        %dma_wait3A_370 = arith.constant 0 : i32
        %dma_wait3A_371 = tpu.memref_slice %arg4[%dma_wait3A_370] : memref<321536xi32, #tpu.memory_space<hbm>> -> memref<16xi32, #tpu.memory_space<hbm>>
        %dma_wait3A_372 = arith.constant 0 : i32
        %dma_wait3A_373 = tpu.memref_slice %arg4[%dma_wait3A_372] : memref<321536xi32, #tpu.memory_space<hbm>> -> memref<16xi32, #tpu.memory_space<hbm>>
        tpu.wait_dma2 semaphore(%arg31 : memref<!tpu.dma_semaphore, #tpu.memory_space<semaphore_mem>>) src(%dma_wait3A_373 : memref<16xi32, #tpu.memory_space<hbm>>) dst(%arg18 : memref<16xi32, #tpu.memory_space<vmem>>)
        %dma_start3A_374 = arith.constant 0 : i32
        %dma_start3A_375 = arith.constant 0 : i32
        %dma_start3A_376 = tpu.memref_slice %arg2[%dma_start3A_374, %dma_start3A_375] : memref<10000x128xf32, #tpu.memory_space<hbm>> -> memref<10000x128xf32, #tpu.memory_space<hbm>>
        tpu.enqueue_indirect_dma source(%dma_start3A_376 : memref<10000x128xf32, #tpu.memory_space<hbm>>) target(%arg12 : memref<16x128xf32, #tpu.memory_space<vmem>>) offsets(%arg18 : memref<16xi32, #tpu.memory_space<vmem>>) semaphore(%arg45 : memref<!tpu.dma_semaphore, #tpu.memory_space<semaphore_mem>>)
        %add3A_377 = arith.addi %mul3A_2, %add3A_369 : i32
        %mul3A_378 = arith.constant 16 : i32
        %mul3A_379 = arith.muli %add3A_377, %mul3A_378 : i32
        %multiple_of3A_380 = tpu.assume_multiple %mul3A_379, 16 : i32
        %dma_start3A_381 = tpu.memref_slice %arg5[%multiple_of3A_380] : memref<321536xi32, #tpu.memory_space<hbm>> -> memref<16xi32, #tpu.memory_space<hbm>>
        %dma_start3A_382 = tpu.memref_slice %arg5[%multiple_of3A_380] : memref<321536xi32, #tpu.memory_space<hbm>> -> memref<16xi32, #tpu.memory_space<hbm>>
        tpu.enqueue_dma source(%dma_start3A_382 : memref<16xi32, #tpu.memory_space<hbm>>) target(%arg24 : memref<16xi32, #tpu.memory_space<vmem>>) target_semaphore(%arg37 : memref<!tpu.dma_semaphore, #tpu.memory_space<semaphore_mem>>)
      } else {
      }
      %dma_wait3A_124 = arith.constant 0 : i32
      %dma_wait3A_125 = arith.constant 0 : i32
      %dma_wait3A_126 = tpu.memref_slice %arg3[%dma_wait3A_124, %dma_wait3A_125] : memref<320000x128xf32, #tpu.memory_space<hbm>> -> memref<16x128xf32, #tpu.memory_space<hbm>>
      %dma_wait3A_127 = arith.constant 0 : i32
      %dma_wait3A_128 = arith.constant 0 : i32
      %dma_wait3A_129 = tpu.memref_slice %arg3[%dma_wait3A_127, %dma_wait3A_128] : memref<320000x128xf32, #tpu.memory_space<hbm>> -> memref<16x128xf32, #tpu.memory_space<hbm>>
      tpu.wait_dma2 semaphore(%arg41 : memref<!tpu.dma_semaphore, #tpu.memory_space<semaphore_mem>>) src(%dma_wait3A_129 : memref<16x128xf32, #tpu.memory_space<hbm>>) dst(%arg8 : memref<16x128xf32, #tpu.memory_space<vmem>>)
      %dma_wait3A_130 = arith.constant 0 : i32
      %dma_wait3A_131 = tpu.memref_slice %arg5[%dma_wait3A_130] : memref<321536xi32, #tpu.memory_space<hbm>> -> memref<16xi32, #tpu.memory_space<hbm>>
      %dma_wait3A_132 = arith.constant 0 : i32
      %dma_wait3A_133 = tpu.memref_slice %arg5[%dma_wait3A_132] : memref<321536xi32, #tpu.memory_space<hbm>> -> memref<16xi32, #tpu.memory_space<hbm>>
      tpu.wait_dma2 semaphore(%arg33 : memref<!tpu.dma_semaphore, #tpu.memory_space<semaphore_mem>>) src(%dma_wait3A_133 : memref<16xi32, #tpu.memory_space<hbm>>) dst(%arg20 : memref<16xi32, #tpu.memory_space<vmem>>)
      %dma_start3A_134 = arith.constant 0 : i32
      %dma_start3A_135 = arith.constant 0 : i32
      %dma_start3A_136 = tpu.memref_slice %arg28[%dma_start3A_134, %dma_start3A_135] : memref<10008x128xf32, #tpu.memory_space<vmem_shared>> -> memref<10008x128xf32, #tpu.memory_space<vmem_shared>>
      tpu.enqueue_indirect_dma source(%arg8 : memref<16x128xf32, #tpu.memory_space<vmem>>) target(%dma_start3A_136 : memref<10008x128xf32, #tpu.memory_space<vmem_shared>>) offsets(%arg20 : memref<16xi32, #tpu.memory_space<vmem>>) semaphore(%arg49 : memref<!tpu.dma_semaphore, #tpu.memory_space<semaphore_mem>>) {add = true}
      %add3A_137 = arith.constant 4 : i32
      %add3A_138 = arith.addi %add3A_112, %add3A_137 : i32
      %lt3A_139 = arith.constant 628 : i32
      %lt3A_140 = arith.cmpi slt, %add3A_138, %lt3A_139 : i32
      %convert_element_type3A_141 = arith.extui %lt3A_140 : i1 to i32
      %cond3A_142 = arith.constant 0 : i32
      %cond3A_143 = arith.cmpi ne, %convert_element_type3A_141, %cond3A_142 : i32
      scf.if %cond3A_143 {
        %add3A_368 = arith.constant 4 : i32
        %add3A_369 = arith.addi %add3A_112, %add3A_368 : i32
        %add3A_370 = arith.addi %mul3A_2, %add3A_369 : i32
        %mul3A_371 = arith.constant 16 : i32
        %mul3A_372 = arith.muli %add3A_370, %mul3A_371 : i32
        %multiple_of3A_373 = tpu.assume_multiple %mul3A_372, 16 : i32
        %dma_start3A_374 = tpu.memref_slice %arg4[%multiple_of3A_373] : memref<321536xi32, #tpu.memory_space<hbm>> -> memref<16xi32, #tpu.memory_space<hbm>>
        %dma_start3A_375 = tpu.memref_slice %arg4[%multiple_of3A_373] : memref<321536xi32, #tpu.memory_space<hbm>> -> memref<16xi32, #tpu.memory_space<hbm>>
        tpu.enqueue_dma source(%dma_start3A_375 : memref<16xi32, #tpu.memory_space<hbm>>) target(%arg16 : memref<16xi32, #tpu.memory_space<vmem>>) target_semaphore(%arg29 : memref<!tpu.dma_semaphore, #tpu.memory_space<semaphore_mem>>)
      } else {
      }
      %mul3A_144 = arith.constant 8 : i32
      %mul3A_145 = arith.muli %mul3A_144, %scan3A_104 : i32
      %add3A_146 = arith.constant 1 : i32
      %add3A_147 = arith.addi %mul3A_145, %add3A_146 : i32
      %mul3A_148 = arith.constant 4 : i32
      %mul3A_149 = arith.muli %mul3A_148, %scan3A_104 : i32
      %add3A_150 = arith.constant 0 : i32
      %add3A_151 = arith.addi %mul3A_149, %add3A_150 : i32
      %ge3A_152 = arith.constant 4 : i32
      %ge3A_153 = arith.cmpi sge, %add3A_147, %ge3A_152 : i32
      %convert_element_type3A_154 = arith.extui %ge3A_153 : i1 to i32
      %cond3A_155 = arith.constant 0 : i32
      %cond3A_156 = arith.cmpi ne, %convert_element_type3A_154, %cond3A_155 : i32
      scf.if %cond3A_156 {
        %sub3A = arith.constant 2 : i32
        %sub3A_368 = arith.subi %add3A_151, %sub3A : i32
        %add3A_369 = arith.addi %mul3A_2, %sub3A_368 : i32
        %lt3A_370 = arith.constant 20000 : i32
        %lt3A_371 = arith.cmpi slt, %add3A_369, %lt3A_370 : i32
        %convert_element_type3A_372 = arith.extui %lt3A_371 : i1 to i32
        %cond3A_373 = arith.constant 0 : i32
        %cond3A_374 = arith.cmpi ne, %convert_element_type3A_372, %cond3A_373 : i32
        scf.if %cond3A_374 {
          %dma_wait3A_375 = arith.constant 0 : i32
          %dma_wait3A_376 = arith.constant 0 : i32
          %dma_wait3A_377 = tpu.memref_slice %arg28[%dma_wait3A_375, %dma_wait3A_376] : memref<10008x128xf32, #tpu.memory_space<vmem_shared>> -> memref<10008x128xf32, #tpu.memory_space<vmem_shared>>
          tpu.wait_indirect_dma semaphore(%arg54 : memref<!tpu.dma_semaphore, #tpu.memory_space<semaphore_mem>>) src(%arg13 : memref<16x128xf32, #tpu.memory_space<vmem>>) dst(%dma_wait3A_377 : memref<10008x128xf32, #tpu.memory_space<vmem_shared>>)
        } else {
        }
      } else {
      }
      %add3A_157 = arith.constant 4 : i32
      %add3A_158 = arith.addi %add3A_147, %add3A_157 : i32
      %lt3A_159 = arith.constant 1256 : i32
      %lt3A_160 = arith.cmpi slt, %add3A_158, %lt3A_159 : i32
      %convert_element_type3A_161 = arith.extui %lt3A_160 : i1 to i32
      %cond3A_162 = arith.constant 0 : i32
      %cond3A_163 = arith.cmpi ne, %convert_element_type3A_161, %cond3A_162 : i32
      scf.if %cond3A_163 {
        %add3A_368 = arith.constant 2 : i32
        %add3A_369 = arith.addi %add3A_151, %add3A_368 : i32
        %add3A_370 = arith.addi %mul3A_2, %add3A_369 : i32
        %lt3A_371 = arith.constant 20000 : i32
        %lt3A_372 = arith.cmpi slt, %add3A_370, %lt3A_371 : i32
        %convert_element_type3A_373 = arith.extui %lt3A_372 : i1 to i32
        %cond3A_374 = arith.constant 0 : i32
        %cond3A_375 = arith.cmpi ne, %convert_element_type3A_373, %cond3A_374 : i32
        scf.if %cond3A_375 {
          %add3A_376 = arith.addi %mul3A_2, %add3A_369 : i32
          %mul3A_377 = arith.constant 16 : i32
          %mul3A_378 = arith.muli %add3A_376, %mul3A_377 : i32
          %multiple_of3A_379 = tpu.assume_multiple %mul3A_378, 16 : i32
          %dma_start3A_380 = arith.constant 0 : i32
          %dma_start3A_381 = tpu.memref_slice %arg3[%multiple_of3A_379, %dma_start3A_380] : memref<320000x128xf32, #tpu.memory_space<hbm>> -> memref<16x128xf32, #tpu.memory_space<hbm>>
          %dma_start3A_382 = arith.constant 0 : i32
          %dma_start3A_383 = tpu.memref_slice %arg3[%multiple_of3A_379, %dma_start3A_382] : memref<320000x128xf32, #tpu.memory_space<hbm>> -> memref<16x128xf32, #tpu.memory_space<hbm>>
          tpu.enqueue_dma source(%dma_start3A_383 : memref<16x128xf32, #tpu.memory_space<hbm>>) target(%arg13 : memref<16x128xf32, #tpu.memory_space<vmem>>) target_semaphore(%arg46 : memref<!tpu.dma_semaphore, #tpu.memory_space<semaphore_mem>>)
          %add3A_384 = arith.addi %mul3A_2, %add3A_369 : i32
          %mul3A_385 = arith.constant 16 : i32
          %mul3A_386 = arith.muli %add3A_384, %mul3A_385 : i32
          %multiple_of3A_387 = tpu.assume_multiple %mul3A_386, 16 : i32
          %dma_start3A_388 = tpu.memref_slice %arg5[%multiple_of3A_387] : memref<321536xi32, #tpu.memory_space<hbm>> -> memref<16xi32, #tpu.memory_space<hbm>>
          %dma_start3A_389 = tpu.memref_slice %arg5[%multiple_of3A_387] : memref<321536xi32, #tpu.memory_space<hbm>> -> memref<16xi32, #tpu.memory_space<hbm>>
          tpu.enqueue_dma source(%dma_start3A_389 : memref<16xi32, #tpu.memory_space<hbm>>) target(%arg25 : memref<16xi32, #tpu.memory_space<vmem>>) target_semaphore(%arg38 : memref<!tpu.dma_semaphore, #tpu.memory_space<semaphore_mem>>)
        } else {
        }
      } else {
      }
      %add3A_164 = arith.addi %mul3A_2, %add3A_151 : i32
      %lt3A_165 = arith.constant 20000 : i32
      %lt3A_166 = arith.cmpi slt, %add3A_164, %lt3A_165 : i32
      %convert_element_type3A_167 = arith.extui %lt3A_166 : i1 to i32
      %cond3A_168 = arith.constant 0 : i32
      %cond3A_169 = arith.cmpi ne, %convert_element_type3A_167, %cond3A_168 : i32
      scf.if %cond3A_169 {
        %dma_wait3A_368 = arith.constant 0 : i32
        %dma_wait3A_369 = arith.constant 0 : i32
        %dma_wait3A_370 = tpu.memref_slice %arg3[%dma_wait3A_368, %dma_wait3A_369] : memref<320000x128xf32, #tpu.memory_space<hbm>> -> memref<16x128xf32, #tpu.memory_space<hbm>>
        %dma_wait3A_371 = arith.constant 0 : i32
        %dma_wait3A_372 = arith.constant 0 : i32
        %dma_wait3A_373 = tpu.memref_slice %arg3[%dma_wait3A_371, %dma_wait3A_372] : memref<320000x128xf32, #tpu.memory_space<hbm>> -> memref<16x128xf32, #tpu.memory_space<hbm>>
        tpu.wait_dma2 semaphore(%arg42 : memref<!tpu.dma_semaphore, #tpu.memory_space<semaphore_mem>>) src(%dma_wait3A_373 : memref<16x128xf32, #tpu.memory_space<hbm>>) dst(%arg9 : memref<16x128xf32, #tpu.memory_space<vmem>>)
        %dma_wait3A_374 = arith.constant 0 : i32
        %dma_wait3A_375 = tpu.memref_slice %arg5[%dma_wait3A_374] : memref<321536xi32, #tpu.memory_space<hbm>> -> memref<16xi32, #tpu.memory_space<hbm>>
        %dma_wait3A_376 = arith.constant 0 : i32
        %dma_wait3A_377 = tpu.memref_slice %arg5[%dma_wait3A_376] : memref<321536xi32, #tpu.memory_space<hbm>> -> memref<16xi32, #tpu.memory_space<hbm>>
        tpu.wait_dma2 semaphore(%arg34 : memref<!tpu.dma_semaphore, #tpu.memory_space<semaphore_mem>>) src(%dma_wait3A_377 : memref<16xi32, #tpu.memory_space<hbm>>) dst(%arg21 : memref<16xi32, #tpu.memory_space<vmem>>)
        %dma_start3A_378 = arith.constant 0 : i32
        %dma_start3A_379 = arith.constant 0 : i32
        %dma_start3A_380 = tpu.memref_slice %arg28[%dma_start3A_378, %dma_start3A_379] : memref<10008x128xf32, #tpu.memory_space<vmem_shared>> -> memref<10008x128xf32, #tpu.memory_space<vmem_shared>>
        tpu.enqueue_indirect_dma source(%arg9 : memref<16x128xf32, #tpu.memory_space<vmem>>) target(%dma_start3A_380 : memref<10008x128xf32, #tpu.memory_space<vmem_shared>>) offsets(%arg21 : memref<16xi32, #tpu.memory_space<vmem>>) semaphore(%arg50 : memref<!tpu.dma_semaphore, #tpu.memory_space<semaphore_mem>>) {add = true}
      } else {
      }
      %mul3A_170 = arith.constant 8 : i32
      %mul3A_171 = arith.muli %mul3A_170, %scan3A_104 : i32
      %add3A_172 = arith.constant 2 : i32
      %add3A_173 = arith.addi %mul3A_171, %add3A_172 : i32
      %mul3A_174 = arith.constant 4 : i32
      %mul3A_175 = arith.muli %mul3A_174, %scan3A_104 : i32
      %add3A_176 = arith.constant 1 : i32
      %add3A_177 = arith.addi %mul3A_175, %add3A_176 : i32
      %ge3A_178 = arith.constant 4 : i32
      %ge3A_179 = arith.cmpi sge, %add3A_173, %ge3A_178 : i32
      %convert_element_type3A_180 = arith.extui %ge3A_179 : i1 to i32
      %cond3A_181 = arith.constant 0 : i32
      %cond3A_182 = arith.cmpi ne, %convert_element_type3A_180, %cond3A_181 : i32
      scf.if %cond3A_182 {
        %dma_wait3A_368 = arith.constant 0 : i32
        %dma_wait3A_369 = arith.constant 0 : i32
        %dma_wait3A_370 = tpu.memref_slice %arg28[%dma_wait3A_368, %dma_wait3A_369] : memref<10008x128xf32, #tpu.memory_space<vmem_shared>> -> memref<10008x128xf32, #tpu.memory_space<vmem_shared>>
        tpu.wait_indirect_dma semaphore(%arg55 : memref<!tpu.dma_semaphore, #tpu.memory_space<semaphore_mem>>) src(%arg14 : memref<16x128xf32, #tpu.memory_space<vmem>>) dst(%dma_wait3A_370 : memref<10008x128xf32, #tpu.memory_space<vmem_shared>>)
      } else {
      }
      %add3A_183 = arith.constant 4 : i32
      %add3A_184 = arith.addi %add3A_173, %add3A_183 : i32
      %lt3A_185 = arith.constant 1256 : i32
      %lt3A_186 = arith.cmpi slt, %add3A_184, %lt3A_185 : i32
      %convert_element_type3A_187 = arith.extui %lt3A_186 : i1 to i32
      %cond3A_188 = arith.constant 0 : i32
      %cond3A_189 = arith.cmpi ne, %convert_element_type3A_187, %cond3A_188 : i32
      scf.if %cond3A_189 {
        %add3A_368 = arith.constant 2 : i32
        %add3A_369 = arith.addi %add3A_177, %add3A_368 : i32
        %dma_wait3A_370 = arith.constant 0 : i32
        %dma_wait3A_371 = tpu.memref_slice %arg4[%dma_wait3A_370] : memref<321536xi32, #tpu.memory_space<hbm>> -> memref<16xi32, #tpu.memory_space<hbm>>
        %dma_wait3A_372 = arith.constant 0 : i32
        %dma_wait3A_373 = tpu.memref_slice %arg4[%dma_wait3A_372] : memref<321536xi32, #tpu.memory_space<hbm>> -> memref<16xi32, #tpu.memory_space<hbm>>
        tpu.wait_dma2 semaphore(%arg32 : memref<!tpu.dma_semaphore, #tpu.memory_space<semaphore_mem>>) src(%dma_wait3A_373 : memref<16xi32, #tpu.memory_space<hbm>>) dst(%arg19 : memref<16xi32, #tpu.memory_space<vmem>>)
        %dma_start3A_374 = arith.constant 0 : i32
        %dma_start3A_375 = arith.constant 0 : i32
        %dma_start3A_376 = tpu.memref_slice %arg2[%dma_start3A_374, %dma_start3A_375] : memref<10000x128xf32, #tpu.memory_space<hbm>> -> memref<10000x128xf32, #tpu.memory_space<hbm>>
        tpu.enqueue_indirect_dma source(%dma_start3A_376 : memref<10000x128xf32, #tpu.memory_space<hbm>>) target(%arg14 : memref<16x128xf32, #tpu.memory_space<vmem>>) offsets(%arg19 : memref<16xi32, #tpu.memory_space<vmem>>) semaphore(%arg47 : memref<!tpu.dma_semaphore, #tpu.memory_space<semaphore_mem>>)
        %add3A_377 = arith.addi %mul3A_2, %add3A_369 : i32
        %mul3A_378 = arith.constant 16 : i32
        %mul3A_379 = arith.muli %add3A_377, %mul3A_378 : i32
        %multiple_of3A_380 = tpu.assume_multiple %mul3A_379, 16 : i32
        %dma_start3A_381 = tpu.memref_slice %arg5[%multiple_of3A_380] : memref<321536xi32, #tpu.memory_space<hbm>> -> memref<16xi32, #tpu.memory_space<hbm>>
        %dma_start3A_382 = tpu.memref_slice %arg5[%multiple_of3A_380] : memref<321536xi32, #tpu.memory_space<hbm>> -> memref<16xi32, #tpu.memory_space<hbm>>
        tpu.enqueue_dma source(%dma_start3A_382 : memref<16xi32, #tpu.memory_space<hbm>>) target(%arg26 : memref<16xi32, #tpu.memory_space<vmem>>) target_semaphore(%arg39 : memref<!tpu.dma_semaphore, #tpu.memory_space<semaphore_mem>>)
      } else {
      }
      %dma_wait3A_190 = arith.constant 0 : i32
      %dma_wait3A_191 = arith.constant 0 : i32
      %dma_wait3A_192 = tpu.memref_slice %arg3[%dma_wait3A_190, %dma_wait3A_191] : memref<320000x128xf32, #tpu.memory_space<hbm>> -> memref<16x128xf32, #tpu.memory_space<hbm>>
      %dma_wait3A_193 = arith.constant 0 : i32
      %dma_wait3A_194 = arith.constant 0 : i32
      %dma_wait3A_195 = tpu.memref_slice %arg3[%dma_wait3A_193, %dma_wait3A_194] : memref<320000x128xf32, #tpu.memory_space<hbm>> -> memref<16x128xf32, #tpu.memory_space<hbm>>
      tpu.wait_dma2 semaphore(%arg43 : memref<!tpu.dma_semaphore, #tpu.memory_space<semaphore_mem>>) src(%dma_wait3A_195 : memref<16x128xf32, #tpu.memory_space<hbm>>) dst(%arg10 : memref<16x128xf32, #tpu.memory_space<vmem>>)
      %dma_wait3A_196 = arith.constant 0 : i32
      %dma_wait3A_197 = tpu.memref_slice %arg5[%dma_wait3A_196] : memref<321536xi32, #tpu.memory_space<hbm>> -> memref<16xi32, #tpu.memory_space<hbm>>
      %dma_wait3A_198 = arith.constant 0 : i32
      %dma_wait3A_199 = tpu.memref_slice %arg5[%dma_wait3A_198] : memref<321536xi32, #tpu.memory_space<hbm>> -> memref<16xi32, #tpu.memory_space<hbm>>
      tpu.wait_dma2 semaphore(%arg35 : memref<!tpu.dma_semaphore, #tpu.memory_space<semaphore_mem>>) src(%dma_wait3A_199 : memref<16xi32, #tpu.memory_space<hbm>>) dst(%arg22 : memref<16xi32, #tpu.memory_space<vmem>>)
      %dma_start3A_200 = arith.constant 0 : i32
      %dma_start3A_201 = arith.constant 0 : i32
      %dma_start3A_202 = tpu.memref_slice %arg28[%dma_start3A_200, %dma_start3A_201] : memref<10008x128xf32, #tpu.memory_space<vmem_shared>> -> memref<10008x128xf32, #tpu.memory_space<vmem_shared>>
      tpu.enqueue_indirect_dma source(%arg10 : memref<16x128xf32, #tpu.memory_space<vmem>>) target(%dma_start3A_202 : memref<10008x128xf32, #tpu.memory_space<vmem_shared>>) offsets(%arg22 : memref<16xi32, #tpu.memory_space<vmem>>) semaphore(%arg51 : memref<!tpu.dma_semaphore, #tpu.memory_space<semaphore_mem>>) {add = true}
      %add3A_203 = arith.constant 4 : i32
      %add3A_204 = arith.addi %add3A_177, %add3A_203 : i32
      %lt3A_205 = arith.constant 628 : i32
      %lt3A_206 = arith.cmpi slt, %add3A_204, %lt3A_205 : i32
      %convert_element_type3A_207 = arith.extui %lt3A_206 : i1 to i32
      %cond3A_208 = arith.constant 0 : i32
      %cond3A_209 = arith.cmpi ne, %convert_element_type3A_207, %cond3A_208 : i32
      scf.if %cond3A_209 {
        %add3A_368 = arith.constant 4 : i32
        %add3A_369 = arith.addi %add3A_177, %add3A_368 : i32
        %add3A_370 = arith.addi %mul3A_2, %add3A_369 : i32
        %mul3A_371 = arith.constant 16 : i32
        %mul3A_372 = arith.muli %add3A_370, %mul3A_371 : i32
        %multiple_of3A_373 = tpu.assume_multiple %mul3A_372, 16 : i32
        %dma_start3A_374 = tpu.memref_slice %arg4[%multiple_of3A_373] : memref<321536xi32, #tpu.memory_space<hbm>> -> memref<16xi32, #tpu.memory_space<hbm>>
        %dma_start3A_375 = tpu.memref_slice %arg4[%multiple_of3A_373] : memref<321536xi32, #tpu.memory_space<hbm>> -> memref<16xi32, #tpu.memory_space<hbm>>
        tpu.enqueue_dma source(%dma_start3A_375 : memref<16xi32, #tpu.memory_space<hbm>>) target(%arg17 : memref<16xi32, #tpu.memory_space<vmem>>) target_semaphore(%arg30 : memref<!tpu.dma_semaphore, #tpu.memory_space<semaphore_mem>>)
      } else {
      }
      %mul3A_210 = arith.constant 8 : i32
      %mul3A_211 = arith.muli %mul3A_210, %scan3A_104 : i32
      %add3A_212 = arith.constant 3 : i32
      %add3A_213 = arith.addi %mul3A_211, %add3A_212 : i32
      %mul3A_214 = arith.constant 4 : i32
      %mul3A_215 = arith.muli %mul3A_214, %scan3A_104 : i32
      %add3A_216 = arith.constant 1 : i32
      %add3A_217 = arith.addi %mul3A_215, %add3A_216 : i32
      %ge3A_218 = arith.constant 4 : i32
      %ge3A_219 = arith.cmpi sge, %add3A_213, %ge3A_218 : i32
      %convert_element_type3A_220 = arith.extui %ge3A_219 : i1 to i32
      %cond3A_221 = arith.constant 0 : i32
      %cond3A_222 = arith.cmpi ne, %convert_element_type3A_220, %cond3A_221 : i32
      scf.if %cond3A_222 {
        %sub3A = arith.constant 2 : i32
        %sub3A_368 = arith.subi %add3A_217, %sub3A : i32
        %add3A_369 = arith.addi %mul3A_2, %sub3A_368 : i32
        %lt3A_370 = arith.constant 20000 : i32
        %lt3A_371 = arith.cmpi slt, %add3A_369, %lt3A_370 : i32
        %convert_element_type3A_372 = arith.extui %lt3A_371 : i1 to i32
        %cond3A_373 = arith.constant 0 : i32
        %cond3A_374 = arith.cmpi ne, %convert_element_type3A_372, %cond3A_373 : i32
        scf.if %cond3A_374 {
          %dma_wait3A_375 = arith.constant 0 : i32
          %dma_wait3A_376 = arith.constant 0 : i32
          %dma_wait3A_377 = tpu.memref_slice %arg28[%dma_wait3A_375, %dma_wait3A_376] : memref<10008x128xf32, #tpu.memory_space<vmem_shared>> -> memref<10008x128xf32, #tpu.memory_space<vmem_shared>>
          tpu.wait_indirect_dma semaphore(%arg56 : memref<!tpu.dma_semaphore, #tpu.memory_space<semaphore_mem>>) src(%arg15 : memref<16x128xf32, #tpu.memory_space<vmem>>) dst(%dma_wait3A_377 : memref<10008x128xf32, #tpu.memory_space<vmem_shared>>)
        } else {
        }
      } else {
      }
      %add3A_223 = arith.constant 4 : i32
      %add3A_224 = arith.addi %add3A_213, %add3A_223 : i32
      %lt3A_225 = arith.constant 1256 : i32
      %lt3A_226 = arith.cmpi slt, %add3A_224, %lt3A_225 : i32
      %convert_element_type3A_227 = arith.extui %lt3A_226 : i1 to i32
      %cond3A_228 = arith.constant 0 : i32
      %cond3A_229 = arith.cmpi ne, %convert_element_type3A_227, %cond3A_228 : i32
      scf.if %cond3A_229 {
        %add3A_368 = arith.constant 2 : i32
        %add3A_369 = arith.addi %add3A_217, %add3A_368 : i32
        %add3A_370 = arith.addi %mul3A_2, %add3A_369 : i32
        %lt3A_371 = arith.constant 20000 : i32
        %lt3A_372 = arith.cmpi slt, %add3A_370, %lt3A_371 : i32
        %convert_element_type3A_373 = arith.extui %lt3A_372 : i1 to i32
        %cond3A_374 = arith.constant 0 : i32
        %cond3A_375 = arith.cmpi ne, %convert_element_type3A_373, %cond3A_374 : i32
        scf.if %cond3A_375 {
          %add3A_376 = arith.addi %mul3A_2, %add3A_369 : i32
          %mul3A_377 = arith.constant 16 : i32
          %mul3A_378 = arith.muli %add3A_376, %mul3A_377 : i32
          %multiple_of3A_379 = tpu.assume_multiple %mul3A_378, 16 : i32
          %dma_start3A_380 = arith.constant 0 : i32
          %dma_start3A_381 = tpu.memref_slice %arg3[%multiple_of3A_379, %dma_start3A_380] : memref<320000x128xf32, #tpu.memory_space<hbm>> -> memref<16x128xf32, #tpu.memory_space<hbm>>
          %dma_start3A_382 = arith.constant 0 : i32
          %dma_start3A_383 = tpu.memref_slice %arg3[%multiple_of3A_379, %dma_start3A_382] : memref<320000x128xf32, #tpu.memory_space<hbm>> -> memref<16x128xf32, #tpu.memory_space<hbm>>
          tpu.enqueue_dma source(%dma_start3A_383 : memref<16x128xf32, #tpu.memory_space<hbm>>) target(%arg15 : memref<16x128xf32, #tpu.memory_space<vmem>>) target_semaphore(%arg48 : memref<!tpu.dma_semaphore, #tpu.memory_space<semaphore_mem>>)
          %add3A_384 = arith.addi %mul3A_2, %add3A_369 : i32
          %mul3A_385 = arith.constant 16 : i32
          %mul3A_386 = arith.muli %add3A_384, %mul3A_385 : i32
          %multiple_of3A_387 = tpu.assume_multiple %mul3A_386, 16 : i32
          %dma_start3A_388 = tpu.memref_slice %arg5[%multiple_of3A_387] : memref<321536xi32, #tpu.memory_space<hbm>> -> memref<16xi32, #tpu.memory_space<hbm>>
          %dma_start3A_389 = tpu.memref_slice %arg5[%multiple_of3A_387] : memref<321536xi32, #tpu.memory_space<hbm>> -> memref<16xi32, #tpu.memory_space<hbm>>
          tpu.enqueue_dma source(%dma_start3A_389 : memref<16xi32, #tpu.memory_space<hbm>>) target(%arg27 : memref<16xi32, #tpu.memory_space<vmem>>) target_semaphore(%arg40 : memref<!tpu.dma_semaphore, #tpu.memory_space<semaphore_mem>>)
        } else {
        }
      } else {
      }
      %add3A_230 = arith.addi %mul3A_2, %add3A_217 : i32
      %lt3A_231 = arith.constant 20000 : i32
      %lt3A_232 = arith.cmpi slt, %add3A_230, %lt3A_231 : i32
      %convert_element_type3A_233 = arith.extui %lt3A_232 : i1 to i32
      %cond3A_234 = arith.constant 0 : i32
      %cond3A_235 = arith.cmpi ne, %convert_element_type3A_233, %cond3A_234 : i32
      scf.if %cond3A_235 {
        %dma_wait3A_368 = arith.constant 0 : i32
        %dma_wait3A_369 = arith.constant 0 : i32
        %dma_wait3A_370 = tpu.memref_slice %arg3[%dma_wait3A_368, %dma_wait3A_369] : memref<320000x128xf32, #tpu.memory_space<hbm>> -> memref<16x128xf32, #tpu.memory_space<hbm>>
        %dma_wait3A_371 = arith.constant 0 : i32
        %dma_wait3A_372 = arith.constant 0 : i32
        %dma_wait3A_373 = tpu.memref_slice %arg3[%dma_wait3A_371, %dma_wait3A_372] : memref<320000x128xf32, #tpu.memory_space<hbm>> -> memref<16x128xf32, #tpu.memory_space<hbm>>
        tpu.wait_dma2 semaphore(%arg44 : memref<!tpu.dma_semaphore, #tpu.memory_space<semaphore_mem>>) src(%dma_wait3A_373 : memref<16x128xf32, #tpu.memory_space<hbm>>) dst(%arg11 : memref<16x128xf32, #tpu.memory_space<vmem>>)
        %dma_wait3A_374 = arith.constant 0 : i32
        %dma_wait3A_375 = tpu.memref_slice %arg5[%dma_wait3A_374] : memref<321536xi32, #tpu.memory_space<hbm>> -> memref<16xi32, #tpu.memory_space<hbm>>
        %dma_wait3A_376 = arith.constant 0 : i32
        %dma_wait3A_377 = tpu.memref_slice %arg5[%dma_wait3A_376] : memref<321536xi32, #tpu.memory_space<hbm>> -> memref<16xi32, #tpu.memory_space<hbm>>
        tpu.wait_dma2 semaphore(%arg36 : memref<!tpu.dma_semaphore, #tpu.memory_space<semaphore_mem>>) src(%dma_wait3A_377 : memref<16xi32, #tpu.memory_space<hbm>>) dst(%arg23 : memref<16xi32, #tpu.memory_space<vmem>>)
        %dma_start3A_378 = arith.constant 0 : i32
        %dma_start3A_379 = arith.constant 0 : i32
        %dma_start3A_380 = tpu.memref_slice %arg28[%dma_start3A_378, %dma_start3A_379] : memref<10008x128xf32, #tpu.memory_space<vmem_shared>> -> memref<10008x128xf32, #tpu.memory_space<vmem_shared>>
        tpu.enqueue_indirect_dma source(%arg11 : memref<16x128xf32, #tpu.memory_space<vmem>>) target(%dma_start3A_380 : memref<10008x128xf32, #tpu.memory_space<vmem_shared>>) offsets(%arg23 : memref<16xi32, #tpu.memory_space<vmem>>) semaphore(%arg52 : memref<!tpu.dma_semaphore, #tpu.memory_space<semaphore_mem>>) {add = true}
      } else {
      }
      %mul3A_236 = arith.constant 8 : i32
      %mul3A_237 = arith.muli %mul3A_236, %scan3A_104 : i32
      %add3A_238 = arith.constant 4 : i32
      %add3A_239 = arith.addi %mul3A_237, %add3A_238 : i32
      %mul3A_240 = arith.constant 4 : i32
      %mul3A_241 = arith.muli %mul3A_240, %scan3A_104 : i32
      %add3A_242 = arith.constant 2 : i32
      %add3A_243 = arith.addi %mul3A_241, %add3A_242 : i32
      %ge3A_244 = arith.constant 4 : i32
      %ge3A_245 = arith.cmpi sge, %add3A_239, %ge3A_244 : i32
      %convert_element_type3A_246 = arith.extui %ge3A_245 : i1 to i32
      %cond3A_247 = arith.constant 0 : i32
      %cond3A_248 = arith.cmpi ne, %convert_element_type3A_246, %cond3A_247 : i32
      scf.if %cond3A_248 {
        %dma_wait3A_368 = arith.constant 0 : i32
        %dma_wait3A_369 = arith.constant 0 : i32
        %dma_wait3A_370 = tpu.memref_slice %arg28[%dma_wait3A_368, %dma_wait3A_369] : memref<10008x128xf32, #tpu.memory_space<vmem_shared>> -> memref<10008x128xf32, #tpu.memory_space<vmem_shared>>
        tpu.wait_indirect_dma semaphore(%arg49 : memref<!tpu.dma_semaphore, #tpu.memory_space<semaphore_mem>>) src(%arg8 : memref<16x128xf32, #tpu.memory_space<vmem>>) dst(%dma_wait3A_370 : memref<10008x128xf32, #tpu.memory_space<vmem_shared>>)
      } else {
      }
      %add3A_249 = arith.constant 4 : i32
      %add3A_250 = arith.addi %add3A_239, %add3A_249 : i32
      %lt3A_251 = arith.constant 1256 : i32
      %lt3A_252 = arith.cmpi slt, %add3A_250, %lt3A_251 : i32
      %convert_element_type3A_253 = arith.extui %lt3A_252 : i1 to i32
      %cond3A_254 = arith.constant 0 : i32
      %cond3A_255 = arith.cmpi ne, %convert_element_type3A_253, %cond3A_254 : i32
      scf.if %cond3A_255 {
        %add3A_368 = arith.constant 2 : i32
        %add3A_369 = arith.addi %add3A_243, %add3A_368 : i32
        %dma_wait3A_370 = arith.constant 0 : i32
        %dma_wait3A_371 = tpu.memref_slice %arg4[%dma_wait3A_370] : memref<321536xi32, #tpu.memory_space<hbm>> -> memref<16xi32, #tpu.memory_space<hbm>>
        %dma_wait3A_372 = arith.constant 0 : i32
        %dma_wait3A_373 = tpu.memref_slice %arg4[%dma_wait3A_372] : memref<321536xi32, #tpu.memory_space<hbm>> -> memref<16xi32, #tpu.memory_space<hbm>>
        tpu.wait_dma2 semaphore(%arg29 : memref<!tpu.dma_semaphore, #tpu.memory_space<semaphore_mem>>) src(%dma_wait3A_373 : memref<16xi32, #tpu.memory_space<hbm>>) dst(%arg16 : memref<16xi32, #tpu.memory_space<vmem>>)
        %dma_start3A_374 = arith.constant 0 : i32
        %dma_start3A_375 = arith.constant 0 : i32
        %dma_start3A_376 = tpu.memref_slice %arg2[%dma_start3A_374, %dma_start3A_375] : memref<10000x128xf32, #tpu.memory_space<hbm>> -> memref<10000x128xf32, #tpu.memory_space<hbm>>
        tpu.enqueue_indirect_dma source(%dma_start3A_376 : memref<10000x128xf32, #tpu.memory_space<hbm>>) target(%arg8 : memref<16x128xf32, #tpu.memory_space<vmem>>) offsets(%arg16 : memref<16xi32, #tpu.memory_space<vmem>>) semaphore(%arg41 : memref<!tpu.dma_semaphore, #tpu.memory_space<semaphore_mem>>)
        %add3A_377 = arith.addi %mul3A_2, %add3A_369 : i32
        %mul3A_378 = arith.constant 16 : i32
        %mul3A_379 = arith.muli %add3A_377, %mul3A_378 : i32
        %multiple_of3A_380 = tpu.assume_multiple %mul3A_379, 16 : i32
        %dma_start3A_381 = tpu.memref_slice %arg5[%multiple_of3A_380] : memref<321536xi32, #tpu.memory_space<hbm>> -> memref<16xi32, #tpu.memory_space<hbm>>
        %dma_start3A_382 = tpu.memref_slice %arg5[%multiple_of3A_380] : memref<321536xi32, #tpu.memory_space<hbm>> -> memref<16xi32, #tpu.memory_space<hbm>>
        tpu.enqueue_dma source(%dma_start3A_382 : memref<16xi32, #tpu.memory_space<hbm>>) target(%arg20 : memref<16xi32, #tpu.memory_space<vmem>>) target_semaphore(%arg33 : memref<!tpu.dma_semaphore, #tpu.memory_space<semaphore_mem>>)
      } else {
      }
      %dma_wait3A_256 = arith.constant 0 : i32
      %dma_wait3A_257 = arith.constant 0 : i32
      %dma_wait3A_258 = tpu.memref_slice %arg3[%dma_wait3A_256, %dma_wait3A_257] : memref<320000x128xf32, #tpu.memory_space<hbm>> -> memref<16x128xf32, #tpu.memory_space<hbm>>
      %dma_wait3A_259 = arith.constant 0 : i32
      %dma_wait3A_260 = arith.constant 0 : i32
      %dma_wait3A_261 = tpu.memref_slice %arg3[%dma_wait3A_259, %dma_wait3A_260] : memref<320000x128xf32, #tpu.memory_space<hbm>> -> memref<16x128xf32, #tpu.memory_space<hbm>>
      tpu.wait_dma2 semaphore(%arg45 : memref<!tpu.dma_semaphore, #tpu.memory_space<semaphore_mem>>) src(%dma_wait3A_261 : memref<16x128xf32, #tpu.memory_space<hbm>>) dst(%arg12 : memref<16x128xf32, #tpu.memory_space<vmem>>)
      %dma_wait3A_262 = arith.constant 0 : i32
      %dma_wait3A_263 = tpu.memref_slice %arg5[%dma_wait3A_262] : memref<321536xi32, #tpu.memory_space<hbm>> -> memref<16xi32, #tpu.memory_space<hbm>>
      %dma_wait3A_264 = arith.constant 0 : i32
      %dma_wait3A_265 = tpu.memref_slice %arg5[%dma_wait3A_264] : memref<321536xi32, #tpu.memory_space<hbm>> -> memref<16xi32, #tpu.memory_space<hbm>>
      tpu.wait_dma2 semaphore(%arg37 : memref<!tpu.dma_semaphore, #tpu.memory_space<semaphore_mem>>) src(%dma_wait3A_265 : memref<16xi32, #tpu.memory_space<hbm>>) dst(%arg24 : memref<16xi32, #tpu.memory_space<vmem>>)
      %dma_start3A_266 = arith.constant 0 : i32
      %dma_start3A_267 = arith.constant 0 : i32
      %dma_start3A_268 = tpu.memref_slice %arg28[%dma_start3A_266, %dma_start3A_267] : memref<10008x128xf32, #tpu.memory_space<vmem_shared>> -> memref<10008x128xf32, #tpu.memory_space<vmem_shared>>
      tpu.enqueue_indirect_dma source(%arg12 : memref<16x128xf32, #tpu.memory_space<vmem>>) target(%dma_start3A_268 : memref<10008x128xf32, #tpu.memory_space<vmem_shared>>) offsets(%arg24 : memref<16xi32, #tpu.memory_space<vmem>>) semaphore(%arg53 : memref<!tpu.dma_semaphore, #tpu.memory_space<semaphore_mem>>) {add = true}
      %add3A_269 = arith.constant 4 : i32
      %add3A_270 = arith.addi %add3A_243, %add3A_269 : i32
      %lt3A_271 = arith.constant 628 : i32
      %lt3A_272 = arith.cmpi slt, %add3A_270, %lt3A_271 : i32
      %convert_element_type3A_273 = arith.extui %lt3A_272 : i1 to i32
      %cond3A_274 = arith.constant 0 : i32
      %cond3A_275 = arith.cmpi ne, %convert_element_type3A_273, %cond3A_274 : i32
      scf.if %cond3A_275 {
        %add3A_368 = arith.constant 4 : i32
        %add3A_369 = arith.addi %add3A_243, %add3A_368 : i32
        %add3A_370 = arith.addi %mul3A_2, %add3A_369 : i32
        %mul3A_371 = arith.constant 16 : i32
        %mul3A_372 = arith.muli %add3A_370, %mul3A_371 : i32
        %multiple_of3A_373 = tpu.assume_multiple %mul3A_372, 16 : i32
        %dma_start3A_374 = tpu.memref_slice %arg4[%multiple_of3A_373] : memref<321536xi32, #tpu.memory_space<hbm>> -> memref<16xi32, #tpu.memory_space<hbm>>
        %dma_start3A_375 = tpu.memref_slice %arg4[%multiple_of3A_373] : memref<321536xi32, #tpu.memory_space<hbm>> -> memref<16xi32, #tpu.memory_space<hbm>>
        tpu.enqueue_dma source(%dma_start3A_375 : memref<16xi32, #tpu.memory_space<hbm>>) target(%arg18 : memref<16xi32, #tpu.memory_space<vmem>>) target_semaphore(%arg31 : memref<!tpu.dma_semaphore, #tpu.memory_space<semaphore_mem>>)
      } else {
      }
      %mul3A_276 = arith.constant 8 : i32
      %mul3A_277 = arith.muli %mul3A_276, %scan3A_104 : i32
      %add3A_278 = arith.constant 5 : i32
      %add3A_279 = arith.addi %mul3A_277, %add3A_278 : i32
      %mul3A_280 = arith.constant 4 : i32
      %mul3A_281 = arith.muli %mul3A_280, %scan3A_104 : i32
      %add3A_282 = arith.constant 2 : i32
      %add3A_283 = arith.addi %mul3A_281, %add3A_282 : i32
      %ge3A_284 = arith.constant 4 : i32
      %ge3A_285 = arith.cmpi sge, %add3A_279, %ge3A_284 : i32
      %convert_element_type3A_286 = arith.extui %ge3A_285 : i1 to i32
      %cond3A_287 = arith.constant 0 : i32
      %cond3A_288 = arith.cmpi ne, %convert_element_type3A_286, %cond3A_287 : i32
      scf.if %cond3A_288 {
        %sub3A = arith.constant 2 : i32
        %sub3A_368 = arith.subi %add3A_283, %sub3A : i32
        %add3A_369 = arith.addi %mul3A_2, %sub3A_368 : i32
        %lt3A_370 = arith.constant 20000 : i32
        %lt3A_371 = arith.cmpi slt, %add3A_369, %lt3A_370 : i32
        %convert_element_type3A_372 = arith.extui %lt3A_371 : i1 to i32
        %cond3A_373 = arith.constant 0 : i32
        %cond3A_374 = arith.cmpi ne, %convert_element_type3A_372, %cond3A_373 : i32
        scf.if %cond3A_374 {
          %dma_wait3A_375 = arith.constant 0 : i32
          %dma_wait3A_376 = arith.constant 0 : i32
          %dma_wait3A_377 = tpu.memref_slice %arg28[%dma_wait3A_375, %dma_wait3A_376] : memref<10008x128xf32, #tpu.memory_space<vmem_shared>> -> memref<10008x128xf32, #tpu.memory_space<vmem_shared>>
          tpu.wait_indirect_dma semaphore(%arg50 : memref<!tpu.dma_semaphore, #tpu.memory_space<semaphore_mem>>) src(%arg9 : memref<16x128xf32, #tpu.memory_space<vmem>>) dst(%dma_wait3A_377 : memref<10008x128xf32, #tpu.memory_space<vmem_shared>>)
        } else {
        }
      } else {
      }
      %add3A_289 = arith.constant 4 : i32
      %add3A_290 = arith.addi %add3A_279, %add3A_289 : i32
      %lt3A_291 = arith.constant 1256 : i32
      %lt3A_292 = arith.cmpi slt, %add3A_290, %lt3A_291 : i32
      %convert_element_type3A_293 = arith.extui %lt3A_292 : i1 to i32
      %cond3A_294 = arith.constant 0 : i32
      %cond3A_295 = arith.cmpi ne, %convert_element_type3A_293, %cond3A_294 : i32
      scf.if %cond3A_295 {
        %add3A_368 = arith.constant 2 : i32
        %add3A_369 = arith.addi %add3A_283, %add3A_368 : i32
        %add3A_370 = arith.addi %mul3A_2, %add3A_369 : i32
        %lt3A_371 = arith.constant 20000 : i32
        %lt3A_372 = arith.cmpi slt, %add3A_370, %lt3A_371 : i32
        %convert_element_type3A_373 = arith.extui %lt3A_372 : i1 to i32
        %cond3A_374 = arith.constant 0 : i32
        %cond3A_375 = arith.cmpi ne, %convert_element_type3A_373, %cond3A_374 : i32
        scf.if %cond3A_375 {
          %add3A_376 = arith.addi %mul3A_2, %add3A_369 : i32
          %mul3A_377 = arith.constant 16 : i32
          %mul3A_378 = arith.muli %add3A_376, %mul3A_377 : i32
          %multiple_of3A_379 = tpu.assume_multiple %mul3A_378, 16 : i32
          %dma_start3A_380 = arith.constant 0 : i32
          %dma_start3A_381 = tpu.memref_slice %arg3[%multiple_of3A_379, %dma_start3A_380] : memref<320000x128xf32, #tpu.memory_space<hbm>> -> memref<16x128xf32, #tpu.memory_space<hbm>>
          %dma_start3A_382 = arith.constant 0 : i32
          %dma_start3A_383 = tpu.memref_slice %arg3[%multiple_of3A_379, %dma_start3A_382] : memref<320000x128xf32, #tpu.memory_space<hbm>> -> memref<16x128xf32, #tpu.memory_space<hbm>>
          tpu.enqueue_dma source(%dma_start3A_383 : memref<16x128xf32, #tpu.memory_space<hbm>>) target(%arg9 : memref<16x128xf32, #tpu.memory_space<vmem>>) target_semaphore(%arg42 : memref<!tpu.dma_semaphore, #tpu.memory_space<semaphore_mem>>)
          %add3A_384 = arith.addi %mul3A_2, %add3A_369 : i32
          %mul3A_385 = arith.constant 16 : i32
          %mul3A_386 = arith.muli %add3A_384, %mul3A_385 : i32
          %multiple_of3A_387 = tpu.assume_multiple %mul3A_386, 16 : i32
          %dma_start3A_388 = tpu.memref_slice %arg5[%multiple_of3A_387] : memref<321536xi32, #tpu.memory_space<hbm>> -> memref<16xi32, #tpu.memory_space<hbm>>
          %dma_start3A_389 = tpu.memref_slice %arg5[%multiple_of3A_387] : memref<321536xi32, #tpu.memory_space<hbm>> -> memref<16xi32, #tpu.memory_space<hbm>>
          tpu.enqueue_dma source(%dma_start3A_389 : memref<16xi32, #tpu.memory_space<hbm>>) target(%arg21 : memref<16xi32, #tpu.memory_space<vmem>>) target_semaphore(%arg34 : memref<!tpu.dma_semaphore, #tpu.memory_space<semaphore_mem>>)
        } else {
        }
      } else {
      }
      %add3A_296 = arith.addi %mul3A_2, %add3A_283 : i32
      %lt3A_297 = arith.constant 20000 : i32
      %lt3A_298 = arith.cmpi slt, %add3A_296, %lt3A_297 : i32
      %convert_element_type3A_299 = arith.extui %lt3A_298 : i1 to i32
      %cond3A_300 = arith.constant 0 : i32
      %cond3A_301 = arith.cmpi ne, %convert_element_type3A_299, %cond3A_300 : i32
      scf.if %cond3A_301 {
        %dma_wait3A_368 = arith.constant 0 : i32
        %dma_wait3A_369 = arith.constant 0 : i32
        %dma_wait3A_370 = tpu.memref_slice %arg3[%dma_wait3A_368, %dma_wait3A_369] : memref<320000x128xf32, #tpu.memory_space<hbm>> -> memref<16x128xf32, #tpu.memory_space<hbm>>
        %dma_wait3A_371 = arith.constant 0 : i32
        %dma_wait3A_372 = arith.constant 0 : i32
        %dma_wait3A_373 = tpu.memref_slice %arg3[%dma_wait3A_371, %dma_wait3A_372] : memref<320000x128xf32, #tpu.memory_space<hbm>> -> memref<16x128xf32, #tpu.memory_space<hbm>>
        tpu.wait_dma2 semaphore(%arg46 : memref<!tpu.dma_semaphore, #tpu.memory_space<semaphore_mem>>) src(%dma_wait3A_373 : memref<16x128xf32, #tpu.memory_space<hbm>>) dst(%arg13 : memref<16x128xf32, #tpu.memory_space<vmem>>)
        %dma_wait3A_374 = arith.constant 0 : i32
        %dma_wait3A_375 = tpu.memref_slice %arg5[%dma_wait3A_374] : memref<321536xi32, #tpu.memory_space<hbm>> -> memref<16xi32, #tpu.memory_space<hbm>>
        %dma_wait3A_376 = arith.constant 0 : i32
        %dma_wait3A_377 = tpu.memref_slice %arg5[%dma_wait3A_376] : memref<321536xi32, #tpu.memory_space<hbm>> -> memref<16xi32, #tpu.memory_space<hbm>>
        tpu.wait_dma2 semaphore(%arg38 : memref<!tpu.dma_semaphore, #tpu.memory_space<semaphore_mem>>) src(%dma_wait3A_377 : memref<16xi32, #tpu.memory_space<hbm>>) dst(%arg25 : memref<16xi32, #tpu.memory_space<vmem>>)
        %dma_start3A_378 = arith.constant 0 : i32
        %dma_start3A_379 = arith.constant 0 : i32
        %dma_start3A_380 = tpu.memref_slice %arg28[%dma_start3A_378, %dma_start3A_379] : memref<10008x128xf32, #tpu.memory_space<vmem_shared>> -> memref<10008x128xf32, #tpu.memory_space<vmem_shared>>
        tpu.enqueue_indirect_dma source(%arg13 : memref<16x128xf32, #tpu.memory_space<vmem>>) target(%dma_start3A_380 : memref<10008x128xf32, #tpu.memory_space<vmem_shared>>) offsets(%arg25 : memref<16xi32, #tpu.memory_space<vmem>>) semaphore(%arg54 : memref<!tpu.dma_semaphore, #tpu.memory_space<semaphore_mem>>) {add = true}
      } else {
      }
      %mul3A_302 = arith.constant 8 : i32
      %mul3A_303 = arith.muli %mul3A_302, %scan3A_104 : i32
      %add3A_304 = arith.constant 6 : i32
      %add3A_305 = arith.addi %mul3A_303, %add3A_304 : i32
      %mul3A_306 = arith.constant 4 : i32
      %mul3A_307 = arith.muli %mul3A_306, %scan3A_104 : i32
      %add3A_308 = arith.constant 3 : i32
      %add3A_309 = arith.addi %mul3A_307, %add3A_308 : i32
      %ge3A_310 = arith.constant 4 : i32
      %ge3A_311 = arith.cmpi sge, %add3A_305, %ge3A_310 : i32
      %convert_element_type3A_312 = arith.extui %ge3A_311 : i1 to i32
      %cond3A_313 = arith.constant 0 : i32
      %cond3A_314 = arith.cmpi ne, %convert_element_type3A_312, %cond3A_313 : i32
      scf.if %cond3A_314 {
        %dma_wait3A_368 = arith.constant 0 : i32
        %dma_wait3A_369 = arith.constant 0 : i32
        %dma_wait3A_370 = tpu.memref_slice %arg28[%dma_wait3A_368, %dma_wait3A_369] : memref<10008x128xf32, #tpu.memory_space<vmem_shared>> -> memref<10008x128xf32, #tpu.memory_space<vmem_shared>>
        tpu.wait_indirect_dma semaphore(%arg51 : memref<!tpu.dma_semaphore, #tpu.memory_space<semaphore_mem>>) src(%arg10 : memref<16x128xf32, #tpu.memory_space<vmem>>) dst(%dma_wait3A_370 : memref<10008x128xf32, #tpu.memory_space<vmem_shared>>)
      } else {
      }
      %add3A_315 = arith.constant 4 : i32
      %add3A_316 = arith.addi %add3A_305, %add3A_315 : i32
      %lt3A_317 = arith.constant 1256 : i32
      %lt3A_318 = arith.cmpi slt, %add3A_316, %lt3A_317 : i32
      %convert_element_type3A_319 = arith.extui %lt3A_318 : i1 to i32
      %cond3A_320 = arith.constant 0 : i32
      %cond3A_321 = arith.cmpi ne, %convert_element_type3A_319, %cond3A_320 : i32
      scf.if %cond3A_321 {
        %add3A_368 = arith.constant 2 : i32
        %add3A_369 = arith.addi %add3A_309, %add3A_368 : i32
        %dma_wait3A_370 = arith.constant 0 : i32
        %dma_wait3A_371 = tpu.memref_slice %arg4[%dma_wait3A_370] : memref<321536xi32, #tpu.memory_space<hbm>> -> memref<16xi32, #tpu.memory_space<hbm>>
        %dma_wait3A_372 = arith.constant 0 : i32
        %dma_wait3A_373 = tpu.memref_slice %arg4[%dma_wait3A_372] : memref<321536xi32, #tpu.memory_space<hbm>> -> memref<16xi32, #tpu.memory_space<hbm>>
        tpu.wait_dma2 semaphore(%arg30 : memref<!tpu.dma_semaphore, #tpu.memory_space<semaphore_mem>>) src(%dma_wait3A_373 : memref<16xi32, #tpu.memory_space<hbm>>) dst(%arg17 : memref<16xi32, #tpu.memory_space<vmem>>)
        %dma_start3A_374 = arith.constant 0 : i32
        %dma_start3A_375 = arith.constant 0 : i32
        %dma_start3A_376 = tpu.memref_slice %arg2[%dma_start3A_374, %dma_start3A_375] : memref<10000x128xf32, #tpu.memory_space<hbm>> -> memref<10000x128xf32, #tpu.memory_space<hbm>>
        tpu.enqueue_indirect_dma source(%dma_start3A_376 : memref<10000x128xf32, #tpu.memory_space<hbm>>) target(%arg10 : memref<16x128xf32, #tpu.memory_space<vmem>>) offsets(%arg17 : memref<16xi32, #tpu.memory_space<vmem>>) semaphore(%arg43 : memref<!tpu.dma_semaphore, #tpu.memory_space<semaphore_mem>>)
        %add3A_377 = arith.addi %mul3A_2, %add3A_369 : i32
        %mul3A_378 = arith.constant 16 : i32
        %mul3A_379 = arith.muli %add3A_377, %mul3A_378 : i32
        %multiple_of3A_380 = tpu.assume_multiple %mul3A_379, 16 : i32
        %dma_start3A_381 = tpu.memref_slice %arg5[%multiple_of3A_380] : memref<321536xi32, #tpu.memory_space<hbm>> -> memref<16xi32, #tpu.memory_space<hbm>>
        %dma_start3A_382 = tpu.memref_slice %arg5[%multiple_of3A_380] : memref<321536xi32, #tpu.memory_space<hbm>> -> memref<16xi32, #tpu.memory_space<hbm>>
        tpu.enqueue_dma source(%dma_start3A_382 : memref<16xi32, #tpu.memory_space<hbm>>) target(%arg22 : memref<16xi32, #tpu.memory_space<vmem>>) target_semaphore(%arg35 : memref<!tpu.dma_semaphore, #tpu.memory_space<semaphore_mem>>)
      } else {
      }
      %dma_wait3A_322 = arith.constant 0 : i32
      %dma_wait3A_323 = arith.constant 0 : i32
      %dma_wait3A_324 = tpu.memref_slice %arg3[%dma_wait3A_322, %dma_wait3A_323] : memref<320000x128xf32, #tpu.memory_space<hbm>> -> memref<16x128xf32, #tpu.memory_space<hbm>>
      %dma_wait3A_325 = arith.constant 0 : i32
      %dma_wait3A_326 = arith.constant 0 : i32
      %dma_wait3A_327 = tpu.memref_slice %arg3[%dma_wait3A_325, %dma_wait3A_326] : memref<320000x128xf32, #tpu.memory_space<hbm>> -> memref<16x128xf32, #tpu.memory_space<hbm>>
      tpu.wait_dma2 semaphore(%arg47 : memref<!tpu.dma_semaphore, #tpu.memory_space<semaphore_mem>>) src(%dma_wait3A_327 : memref<16x128xf32, #tpu.memory_space<hbm>>) dst(%arg14 : memref<16x128xf32, #tpu.memory_space<vmem>>)
      %dma_wait3A_328 = arith.constant 0 : i32
      %dma_wait3A_329 = tpu.memref_slice %arg5[%dma_wait3A_328] : memref<321536xi32, #tpu.memory_space<hbm>> -> memref<16xi32, #tpu.memory_space<hbm>>
      %dma_wait3A_330 = arith.constant 0 : i32
      %dma_wait3A_331 = tpu.memref_slice %arg5[%dma_wait3A_330] : memref<321536xi32, #tpu.memory_space<hbm>> -> memref<16xi32, #tpu.memory_space<hbm>>
      tpu.wait_dma2 semaphore(%arg39 : memref<!tpu.dma_semaphore, #tpu.memory_space<semaphore_mem>>) src(%dma_wait3A_331 : memref<16xi32, #tpu.memory_space<hbm>>) dst(%arg26 : memref<16xi32, #tpu.memory_space<vmem>>)
      %dma_start3A_332 = arith.constant 0 : i32
      %dma_start3A_333 = arith.constant 0 : i32
      %dma_start3A_334 = tpu.memref_slice %arg28[%dma_start3A_332, %dma_start3A_333] : memref<10008x128xf32, #tpu.memory_space<vmem_shared>> -> memref<10008x128xf32, #tpu.memory_space<vmem_shared>>
      tpu.enqueue_indirect_dma source(%arg14 : memref<16x128xf32, #tpu.memory_space<vmem>>) target(%dma_start3A_334 : memref<10008x128xf32, #tpu.memory_space<vmem_shared>>) offsets(%arg26 : memref<16xi32, #tpu.memory_space<vmem>>) semaphore(%arg55 : memref<!tpu.dma_semaphore, #tpu.memory_space<semaphore_mem>>) {add = true}
      %add3A_335 = arith.constant 4 : i32
      %add3A_336 = arith.addi %add3A_309, %add3A_335 : i32
      %lt3A_337 = arith.constant 628 : i32
      %lt3A_338 = arith.cmpi slt, %add3A_336, %lt3A_337 : i32
      %convert_element_type3A_339 = arith.extui %lt3A_338 : i1 to i32
      %cond3A_340 = arith.constant 0 : i32
      %cond3A_341 = arith.cmpi ne, %convert_element_type3A_339, %cond3A_340 : i32
      scf.if %cond3A_341 {
        %add3A_368 = arith.constant 4 : i32
        %add3A_369 = arith.addi %add3A_309, %add3A_368 : i32
        %add3A_370 = arith.addi %mul3A_2, %add3A_369 : i32
        %mul3A_371 = arith.constant 16 : i32
        %mul3A_372 = arith.muli %add3A_370, %mul3A_371 : i32
        %multiple_of3A_373 = tpu.assume_multiple %mul3A_372, 16 : i32
        %dma_start3A_374 = tpu.memref_slice %arg4[%multiple_of3A_373] : memref<321536xi32, #tpu.memory_space<hbm>> -> memref<16xi32, #tpu.memory_space<hbm>>
        %dma_start3A_375 = tpu.memref_slice %arg4[%multiple_of3A_373] : memref<321536xi32, #tpu.memory_space<hbm>> -> memref<16xi32, #tpu.memory_space<hbm>>
        tpu.enqueue_dma source(%dma_start3A_375 : memref<16xi32, #tpu.memory_space<hbm>>) target(%arg19 : memref<16xi32, #tpu.memory_space<vmem>>) target_semaphore(%arg32 : memref<!tpu.dma_semaphore, #tpu.memory_space<semaphore_mem>>)
      } else {
      }
      %mul3A_342 = arith.constant 8 : i32
      %mul3A_343 = arith.muli %mul3A_342, %scan3A_104 : i32
      %add3A_344 = arith.constant 7 : i32
      %add3A_345 = arith.addi %mul3A_343, %add3A_344 : i32
      %mul3A_346 = arith.constant 4 : i32
      %mul3A_347 = arith.muli %mul3A_346, %scan3A_104 : i32
      %add3A_348 = arith.constant 3 : i32
      %add3A_349 = arith.addi %mul3A_347, %add3A_348 : i32
      %ge3A_350 = arith.constant 4 : i32
      %ge3A_351 = arith.cmpi sge, %add3A_345, %ge3A_350 : i32
      %convert_element_type3A_352 = arith.extui %ge3A_351 : i1 to i32
      %cond3A_353 = arith.constant 0 : i32
      %cond3A_354 = arith.cmpi ne, %convert_element_type3A_352, %cond3A_353 : i32
      scf.if %cond3A_354 {
        %sub3A = arith.constant 2 : i32
        %sub3A_368 = arith.subi %add3A_349, %sub3A : i32
        %add3A_369 = arith.addi %mul3A_2, %sub3A_368 : i32
        %lt3A_370 = arith.constant 20000 : i32
        %lt3A_371 = arith.cmpi slt, %add3A_369, %lt3A_370 : i32
        %convert_element_type3A_372 = arith.extui %lt3A_371 : i1 to i32
        %cond3A_373 = arith.constant 0 : i32
        %cond3A_374 = arith.cmpi ne, %convert_element_type3A_372, %cond3A_373 : i32
        scf.if %cond3A_374 {
          %dma_wait3A_375 = arith.constant 0 : i32
          %dma_wait3A_376 = arith.constant 0 : i32
          %dma_wait3A_377 = tpu.memref_slice %arg28[%dma_wait3A_375, %dma_wait3A_376] : memref<10008x128xf32, #tpu.memory_space<vmem_shared>> -> memref<10008x128xf32, #tpu.memory_space<vmem_shared>>
          tpu.wait_indirect_dma semaphore(%arg52 : memref<!tpu.dma_semaphore, #tpu.memory_space<semaphore_mem>>) src(%arg11 : memref<16x128xf32, #tpu.memory_space<vmem>>) dst(%dma_wait3A_377 : memref<10008x128xf32, #tpu.memory_space<vmem_shared>>)
        } else {
        }
      } else {
      }
      %add3A_355 = arith.constant 4 : i32
      %add3A_356 = arith.addi %add3A_345, %add3A_355 : i32
      %lt3A_357 = arith.constant 1256 : i32
      %lt3A_358 = arith.cmpi slt, %add3A_356, %lt3A_357 : i32
      %convert_element_type3A_359 = arith.extui %lt3A_358 : i1 to i32
      %cond3A_360 = arith.constant 0 : i32
      %cond3A_361 = arith.cmpi ne, %convert_element_type3A_359, %cond3A_360 : i32
      scf.if %cond3A_361 {
        %add3A_368 = arith.constant 2 : i32
        %add3A_369 = arith.addi %add3A_349, %add3A_368 : i32
        %add3A_370 = arith.addi %mul3A_2, %add3A_369 : i32
        %lt3A_371 = arith.constant 20000 : i32
        %lt3A_372 = arith.cmpi slt, %add3A_370, %lt3A_371 : i32
        %convert_element_type3A_373 = arith.extui %lt3A_372 : i1 to i32
        %cond3A_374 = arith.constant 0 : i32
        %cond3A_375 = arith.cmpi ne, %convert_element_type3A_373, %cond3A_374 : i32
        scf.if %cond3A_375 {
          %add3A_376 = arith.addi %mul3A_2, %add3A_369 : i32
          %mul3A_377 = arith.constant 16 : i32
          %mul3A_378 = arith.muli %add3A_376, %mul3A_377 : i32
          %multiple_of3A_379 = tpu.assume_multiple %mul3A_378, 16 : i32
          %dma_start3A_380 = arith.constant 0 : i32
          %dma_start3A_381 = tpu.memref_slice %arg3[%multiple_of3A_379, %dma_start3A_380] : memref<320000x128xf32, #tpu.memory_space<hbm>> -> memref<16x128xf32, #tpu.memory_space<hbm>>
          %dma_start3A_382 = arith.constant 0 : i32
          %dma_start3A_383 = tpu.memref_slice %arg3[%multiple_of3A_379, %dma_start3A_382] : memref<320000x128xf32, #tpu.memory_space<hbm>> -> memref<16x128xf32, #tpu.memory_space<hbm>>
          tpu.enqueue_dma source(%dma_start3A_383 : memref<16x128xf32, #tpu.memory_space<hbm>>) target(%arg11 : memref<16x128xf32, #tpu.memory_space<vmem>>) target_semaphore(%arg44 : memref<!tpu.dma_semaphore, #tpu.memory_space<semaphore_mem>>)
          %add3A_384 = arith.addi %mul3A_2, %add3A_369 : i32
          %mul3A_385 = arith.constant 16 : i32
          %mul3A_386 = arith.muli %add3A_384, %mul3A_385 : i32
          %multiple_of3A_387 = tpu.assume_multiple %mul3A_386, 16 : i32
          %dma_start3A_388 = tpu.memref_slice %arg5[%multiple_of3A_387] : memref<321536xi32, #tpu.memory_space<hbm>> -> memref<16xi32, #tpu.memory_space<hbm>>
          %dma_start3A_389 = tpu.memref_slice %arg5[%multiple_of3A_387] : memref<321536xi32, #tpu.memory_space<hbm>> -> memref<16xi32, #tpu.memory_space<hbm>>
          tpu.enqueue_dma source(%dma_start3A_389 : memref<16xi32, #tpu.memory_space<hbm>>) target(%arg23 : memref<16xi32, #tpu.memory_space<vmem>>) target_semaphore(%arg36 : memref<!tpu.dma_semaphore, #tpu.memory_space<semaphore_mem>>)
        } else {
        }
      } else {
      }
      %add3A_362 = arith.addi %mul3A_2, %add3A_349 : i32
      %lt3A_363 = arith.constant 20000 : i32
      %lt3A_364 = arith.cmpi slt, %add3A_362, %lt3A_363 : i32
      %convert_element_type3A_365 = arith.extui %lt3A_364 : i1 to i32
      %cond3A_366 = arith.constant 0 : i32
      %cond3A_367 = arith.cmpi ne, %convert_element_type3A_365, %cond3A_366 : i32
      scf.if %cond3A_367 {
        %dma_wait3A_368 = arith.constant 0 : i32
        %dma_wait3A_369 = arith.constant 0 : i32
        %dma_wait3A_370 = tpu.memref_slice %arg3[%dma_wait3A_368, %dma_wait3A_369] : memref<320000x128xf32, #tpu.memory_space<hbm>> -> memref<16x128xf32, #tpu.memory_space<hbm>>
        %dma_wait3A_371 = arith.constant 0 : i32
        %dma_wait3A_372 = arith.constant 0 : i32
        %dma_wait3A_373 = tpu.memref_slice %arg3[%dma_wait3A_371, %dma_wait3A_372] : memref<320000x128xf32, #tpu.memory_space<hbm>> -> memref<16x128xf32, #tpu.memory_space<hbm>>
        tpu.wait_dma2 semaphore(%arg48 : memref<!tpu.dma_semaphore, #tpu.memory_space<semaphore_mem>>) src(%dma_wait3A_373 : memref<16x128xf32, #tpu.memory_space<hbm>>) dst(%arg15 : memref<16x128xf32, #tpu.memory_space<vmem>>)
        %dma_wait3A_374 = arith.constant 0 : i32
        %dma_wait3A_375 = tpu.memref_slice %arg5[%dma_wait3A_374] : memref<321536xi32, #tpu.memory_space<hbm>> -> memref<16xi32, #tpu.memory_space<hbm>>
        %dma_wait3A_376 = arith.constant 0 : i32
        %dma_wait3A_377 = tpu.memref_slice %arg5[%dma_wait3A_376] : memref<321536xi32, #tpu.memory_space<hbm>> -> memref<16xi32, #tpu.memory_space<hbm>>
        tpu.wait_dma2 semaphore(%arg40 : memref<!tpu.dma_semaphore, #tpu.memory_space<semaphore_mem>>) src(%dma_wait3A_377 : memref<16xi32, #tpu.memory_space<hbm>>) dst(%arg27 : memref<16xi32, #tpu.memory_space<vmem>>)
        %dma_start3A_378 = arith.constant 0 : i32
        %dma_start3A_379 = arith.constant 0 : i32
        %dma_start3A_380 = tpu.memref_slice %arg28[%dma_start3A_378, %dma_start3A_379] : memref<10008x128xf32, #tpu.memory_space<vmem_shared>> -> memref<10008x128xf32, #tpu.memory_space<vmem_shared>>
        tpu.enqueue_indirect_dma source(%arg15 : memref<16x128xf32, #tpu.memory_space<vmem>>) target(%dma_start3A_380 : memref<10008x128xf32, #tpu.memory_space<vmem_shared>>) offsets(%arg27 : memref<16xi32, #tpu.memory_space<vmem>>) semaphore(%arg56 : memref<!tpu.dma_semaphore, #tpu.memory_space<semaphore_mem>>) {add = true}
      } else {
      }
    }
    %scan3A_77 = arith.constant 157 : i32
    %dma_wait3A_78 = arith.constant 0 : i32
    %dma_wait3A_79 = arith.constant 0 : i32
    %dma_wait3A_80 = tpu.memref_slice %arg28[%dma_wait3A_78, %dma_wait3A_79] : memref<10008x128xf32, #tpu.memory_space<vmem_shared>> -> memref<10008x128xf32, #tpu.memory_space<vmem_shared>>
    tpu.wait_indirect_dma semaphore(%arg53 : memref<!tpu.dma_semaphore, #tpu.memory_space<semaphore_mem>>) src(%arg12 : memref<16x128xf32, #tpu.memory_space<vmem>>) dst(%dma_wait3A_80 : memref<10008x128xf32, #tpu.memory_space<vmem_shared>>)
    %add3A_81 = arith.constant 626 : i32
    %add3A_82 = arith.addi %mul3A_2, %add3A_81 : i32
    %lt3A_83 = arith.constant 20000 : i32
    %lt3A_84 = arith.cmpi slt, %add3A_82, %lt3A_83 : i32
    %convert_element_type3A_85 = arith.extui %lt3A_84 : i1 to i32
    %cond3A_86 = arith.constant 0 : i32
    %cond3A_87 = arith.cmpi ne, %convert_element_type3A_85, %cond3A_86 : i32
    scf.if %cond3A_87 {
      %dma_wait3A_104 = arith.constant 0 : i32
      %dma_wait3A_105 = arith.constant 0 : i32
      %dma_wait3A_106 = tpu.memref_slice %arg28[%dma_wait3A_104, %dma_wait3A_105] : memref<10008x128xf32, #tpu.memory_space<vmem_shared>> -> memref<10008x128xf32, #tpu.memory_space<vmem_shared>>
      tpu.wait_indirect_dma semaphore(%arg54 : memref<!tpu.dma_semaphore, #tpu.memory_space<semaphore_mem>>) src(%arg13 : memref<16x128xf32, #tpu.memory_space<vmem>>) dst(%dma_wait3A_106 : memref<10008x128xf32, #tpu.memory_space<vmem_shared>>)
    } else {
    }
    %dma_wait3A_88 = arith.constant 0 : i32
    %dma_wait3A_89 = arith.constant 0 : i32
    %dma_wait3A_90 = tpu.memref_slice %arg28[%dma_wait3A_88, %dma_wait3A_89] : memref<10008x128xf32, #tpu.memory_space<vmem_shared>> -> memref<10008x128xf32, #tpu.memory_space<vmem_shared>>
    tpu.wait_indirect_dma semaphore(%arg55 : memref<!tpu.dma_semaphore, #tpu.memory_space<semaphore_mem>>) src(%arg14 : memref<16x128xf32, #tpu.memory_space<vmem>>) dst(%dma_wait3A_90 : memref<10008x128xf32, #tpu.memory_space<vmem_shared>>)
    %add3A_91 = arith.constant 627 : i32
    %add3A_92 = arith.addi %mul3A_2, %add3A_91 : i32
    %lt3A_93 = arith.constant 20000 : i32
    %lt3A_94 = arith.cmpi slt, %add3A_92, %lt3A_93 : i32
    %convert_element_type3A_95 = arith.extui %lt3A_94 : i1 to i32
    %cond3A_96 = arith.constant 0 : i32
    %cond3A_97 = arith.cmpi ne, %convert_element_type3A_95, %cond3A_96 : i32
    scf.if %cond3A_97 {
      %dma_wait3A_104 = arith.constant 0 : i32
      %dma_wait3A_105 = arith.constant 0 : i32
      %dma_wait3A_106 = tpu.memref_slice %arg28[%dma_wait3A_104, %dma_wait3A_105] : memref<10008x128xf32, #tpu.memory_space<vmem_shared>> -> memref<10008x128xf32, #tpu.memory_space<vmem_shared>>
      tpu.wait_indirect_dma semaphore(%arg56 : memref<!tpu.dma_semaphore, #tpu.memory_space<semaphore_mem>>) src(%arg15 : memref<16x128xf32, #tpu.memory_space<vmem>>) dst(%dma_wait3A_106 : memref<10008x128xf32, #tpu.memory_space<vmem_shared>>)
    } else {
    }
    %barrier3A_98 = arith.constant 0 : index
    tpu.barrier barrier_id(%barrier3A_98)
    "tpu.region"() ({
      %run_scoped3A = tpu.sem_alloc : memref<!tpu.dma_semaphore, #tpu.memory_space<semaphore_mem>>
      %dma_start3A_104 = arith.constant 0 : i32
      %dma_start3A_105 = arith.constant 0 : i32
      %dma_start3A_106 = tpu.memref_slice %arg7[%arg0, %dma_start3A_104, %dma_start3A_105] : memref<2x10000x128xf32, #tpu.memory_space<hbm>> -> memref<1x10000x128xf32, #tpu.memory_space<hbm>>
      %dma_start3A_107 = tpu.memref_squeeze %dma_start3A_106 : memref<1x10000x128xf32, #tpu.memory_space<hbm>> -> memref<10000x128xf32, #tpu.memory_space<hbm>>
      %dma_start3A_108 = arith.constant 0 : i32
      %dma_start3A_109 = tpu.memref_slice %dma_start3A_107[%mul3A_68, %dma_start3A_108] : memref<10000x128xf32, #tpu.memory_space<hbm>> -> memref<624x128xf32, #tpu.memory_space<hbm>>
      %dma_start3A_110 = arith.constant 0 : i32
      %dma_start3A_111 = tpu.memref_slice %arg28[%mul3A_68, %dma_start3A_110] : memref<10008x128xf32, #tpu.memory_space<vmem_shared>> -> memref<624x128xf32, #tpu.memory_space<vmem_shared>>
      tpu.enqueue_dma source(%dma_start3A_111 : memref<624x128xf32, #tpu.memory_space<vmem_shared>>) target(%dma_start3A_109 : memref<624x128xf32, #tpu.memory_space<hbm>>) target_semaphore(%run_scoped3A : memref<!tpu.dma_semaphore, #tpu.memory_space<semaphore_mem>>)
      %dma_wait3A_112 = arith.constant 0 : i32
      %dma_wait3A_113 = arith.constant 0 : i32
      %dma_wait3A_114 = tpu.memref_slice %arg7[%arg0, %dma_wait3A_112, %dma_wait3A_113] : memref<2x10000x128xf32, #tpu.memory_space<hbm>> -> memref<1x10000x128xf32, #tpu.memory_space<hbm>>
      %dma_wait3A_115 = tpu.memref_squeeze %dma_wait3A_114 : memref<1x10000x128xf32, #tpu.memory_space<hbm>> -> memref<10000x128xf32, #tpu.memory_space<hbm>>
      %dma_wait3A_116 = arith.constant 0 : i32
      %dma_wait3A_117 = tpu.memref_slice %dma_wait3A_115[%mul3A_68, %dma_wait3A_116] : memref<10000x128xf32, #tpu.memory_space<hbm>> -> memref<624x128xf32, #tpu.memory_space<hbm>>
      %dma_wait3A_118 = arith.constant 0 : i32
      %dma_wait3A_119 = tpu.memref_slice %arg28[%mul3A_68, %dma_wait3A_118] : memref<10008x128xf32, #tpu.memory_space<vmem_shared>> -> memref<624x128xf32, #tpu.memory_space<vmem_shared>>
      tpu.wait_dma2 semaphore(%run_scoped3A : memref<!tpu.dma_semaphore, #tpu.memory_space<semaphore_mem>>) src(%dma_wait3A_119 : memref<624x128xf32, #tpu.memory_space<vmem_shared>>) dst(%dma_wait3A_117 : memref<624x128xf32, #tpu.memory_space<hbm>>)
      tpu.yield
    }) : () -> ()
    %eq3A_99 = arith.constant 15 : i32
    %eq3A_100 = arith.cmpi eq, %arg1, %eq3A_99 : i32
    %convert_element_type3A_101 = arith.extui %eq3A_100 : i1 to i32
    %cond3A_102 = arith.constant 0 : i32
    %cond3A_103 = arith.cmpi ne, %convert_element_type3A_101, %cond3A_102 : i32
    scf.if %cond3A_103 {
      "tpu.region"() ({
        %run_scoped3A = tpu.sem_alloc : memref<!tpu.dma_semaphore, #tpu.memory_space<semaphore_mem>>
        %dma_start3A_104 = arith.constant 0 : i32
        %dma_start3A_105 = arith.constant 0 : i32
        %dma_start3A_106 = tpu.memref_slice %arg7[%arg0, %dma_start3A_104, %dma_start3A_105] : memref<2x10000x128xf32, #tpu.memory_space<hbm>> -> memref<1x10000x128xf32, #tpu.memory_space<hbm>>
        %dma_start3A_107 = tpu.memref_squeeze %dma_start3A_106 : memref<1x10000x128xf32, #tpu.memory_space<hbm>> -> memref<10000x128xf32, #tpu.memory_space<hbm>>
        %dma_start3A_108 = arith.constant 9984 : i32
        %dma_start3A_109 = arith.constant 0 : i32
        %dma_start3A_110 = tpu.memref_slice %dma_start3A_107[%dma_start3A_108, %dma_start3A_109] : memref<10000x128xf32, #tpu.memory_space<hbm>> -> memref<16x128xf32, #tpu.memory_space<hbm>>
        %dma_start3A_111 = arith.constant 9984 : i32
        %dma_start3A_112 = arith.constant 0 : i32
        %dma_start3A_113 = tpu.memref_slice %arg28[%dma_start3A_111, %dma_start3A_112] : memref<10008x128xf32, #tpu.memory_space<vmem_shared>> -> memref<16x128xf32, #tpu.memory_space<vmem_shared>>
        tpu.enqueue_dma source(%dma_start3A_113 : memref<16x128xf32, #tpu.memory_space<vmem_shared>>) target(%dma_start3A_110 : memref<16x128xf32, #tpu.memory_space<hbm>>) target_semaphore(%run_scoped3A : memref<!tpu.dma_semaphore, #tpu.memory_space<semaphore_mem>>)
        %dma_wait3A_114 = arith.constant 0 : i32
        %dma_wait3A_115 = arith.constant 0 : i32
        %dma_wait3A_116 = tpu.memref_slice %arg7[%arg0, %dma_wait3A_114, %dma_wait3A_115] : memref<2x10000x128xf32, #tpu.memory_space<hbm>> -> memref<1x10000x128xf32, #tpu.memory_space<hbm>>
        %dma_wait3A_117 = tpu.memref_squeeze %dma_wait3A_116 : memref<1x10000x128xf32, #tpu.memory_space<hbm>> -> memref<10000x128xf32, #tpu.memory_space<hbm>>
        %dma_wait3A_118 = arith.constant 9984 : i32
        %dma_wait3A_119 = arith.constant 0 : i32
        %dma_wait3A_120 = tpu.memref_slice %dma_wait3A_117[%dma_wait3A_118, %dma_wait3A_119] : memref<10000x128xf32, #tpu.memory_space<hbm>> -> memref<16x128xf32, #tpu.memory_space<hbm>>
        %dma_wait3A_121 = arith.constant 9984 : i32
        %dma_wait3A_122 = arith.constant 0 : i32
        %dma_wait3A_123 = tpu.memref_slice %arg28[%dma_wait3A_121, %dma_wait3A_122] : memref<10008x128xf32, #tpu.memory_space<vmem_shared>> -> memref<16x128xf32, #tpu.memory_space<vmem_shared>>
        tpu.wait_dma2 semaphore(%run_scoped3A : memref<!tpu.dma_semaphore, #tpu.memory_space<semaphore_mem>>) src(%dma_wait3A_123 : memref<16x128xf32, #tpu.memory_space<vmem_shared>>) dst(%dma_wait3A_120 : memref<16x128xf32, #tpu.memory_space<hbm>>)
        tpu.yield
      }) : () -> ()
    } else {
    }
    return
  }
}

module attributes {stable_mosaic.version = 14 : i64} {
  func.func @body(%arg0: memref<2x10000x128xf32, #tpu.memory_space<vmem>>, %arg1: memref<10000x128xf32, #tpu.memory_space<vmem>>, %arg2: memref<128x256xf32, #tpu.memory_space<vmem>>, %arg3: memref<1x256xf32, #tpu.memory_space<vmem>>, %arg4: memref<1x256xf32, #tpu.memory_space<vmem>>, %arg5: memref<256x128xf32, #tpu.memory_space<vmem>>, %arg6: memref<1x128xf32, #tpu.memory_space<vmem>>, %arg7: memref<1x128xf32, #tpu.memory_space<vmem>>, %arg8: memref<1x1xf32, #tpu.memory_space<vmem>>, %arg9: memref<10000x128xf32, #tpu.memory_space<vmem>>) attributes {dimension_semantics = [], scalar_prefetch = 0 : i64, scratch_operands = 0 : i64, tpu.core_type = #tpu.core_type<tc>} {
    %get3A = arith.constant 0 : index
    %get3A_0 = arith.constant 0 : index
    %get3A_1 = vector.load %arg8[%get3A, %get3A_0] : memref<1x1xf32, #tpu.memory_space<vmem>>, vector<1x1xf32>
    %add3A = arith.constant 1.000000e+00 : f32
    %add3A_2 = vector.broadcast %add3A : f32 to vector<1x1xf32>
    %add3A_3 = arith.addf %add3A_2, %get3A_1 : vector<1x1xf32>
    %get3A_4 = arith.constant 0 : index
    %get3A_5 = arith.constant 0 : index
    %get3A_6 = arith.constant 0 : index
    %get3A_7 = vector.load %arg0[%get3A_4, %get3A_5, %get3A_6] : memref<2x10000x128xf32, #tpu.memory_space<vmem>>, vector<1x10000x128xf32>
    %get3A_8 = vector.shape_cast %get3A_7 : vector<1x10000x128xf32> to vector<10000x128xf32>
    %get3A_9 = arith.constant 1 : index
    %get3A_10 = arith.constant 0 : index
    %get3A_11 = arith.constant 0 : index
    %get3A_12 = vector.load %arg0[%get3A_9, %get3A_10, %get3A_11] : memref<2x10000x128xf32, #tpu.memory_space<vmem>>, vector<1x10000x128xf32>
    %get3A_13 = vector.shape_cast %get3A_12 : vector<1x10000x128xf32> to vector<10000x128xf32>
    %add3A_14 = arith.addf %get3A_8, %get3A_13 : vector<10000x128xf32>
    %get3A_15 = arith.constant 0 : index
    %get3A_16 = arith.constant 0 : index
    %get3A_17 = vector.load %arg1[%get3A_15, %get3A_16] : memref<10000x128xf32, #tpu.memory_space<vmem>>, vector<10000x128xf32>
    %mul3A = vector.broadcast %add3A_3 : vector<1x1xf32> to vector<10000x128xf32>
    %mul3A_18 = arith.mulf %mul3A, %get3A_17 : vector<10000x128xf32>
    %add3A_19 = arith.addf %add3A_14, %mul3A_18 : vector<10000x128xf32>
    %get3A_20 = arith.constant 0 : index
    %get3A_21 = arith.constant 0 : index
    %get3A_22 = vector.load %arg2[%get3A_20, %get3A_21] : memref<128x256xf32, #tpu.memory_space<vmem>>, vector<128x256xf32>
    %dot_general3A = arith.constant dense<0.000000e+00> : vector<10000x256xf32>
    %dot_general3A_23 = tpu.matmul %add3A_19, %get3A_22, %dot_general3A {dimension_numbers = #tpu.dot_dimension_numbers<[1], [0], [0], [1], [0, 0, 1, 1], [], []>, transpose_lhs_hint = false} : vector<10000x128xf32>, vector<128x256xf32>, vector<10000x256xf32> -> vector<10000x256xf32>
    %reduce_sum3A = arith.constant dense<0.000000e+00> : vector<256xf32>
    %reduce_sum3A_24 = vector.multi_reduction <add>, %dot_general3A_23, %reduce_sum3A [0] : vector<10000x256xf32> to vector<256xf32>
    %broadcast_in_dim3A = vector.shape_cast %reduce_sum3A_24 : vector<256xf32> to vector<1x256xf32>
    %div3A = arith.constant 1.000000e+04 : f32
    %div3A_25 = vector.broadcast %div3A : f32 to vector<1x256xf32>
    %div3A_26 = arith.divf %broadcast_in_dim3A, %div3A_25 : vector<1x256xf32>
    %sub3A = vector.broadcast %div3A_26 : vector<1x256xf32> to vector<10000x256xf32>
    %sub3A_27 = arith.subf %dot_general3A_23, %sub3A : vector<10000x256xf32>
    %mul3A_28 = arith.mulf %sub3A_27, %sub3A_27 : vector<10000x256xf32>
    %reduce_sum3A_29 = arith.constant dense<0.000000e+00> : vector<256xf32>
    %reduce_sum3A_30 = vector.multi_reduction <add>, %mul3A_28, %reduce_sum3A_29 [0] : vector<10000x256xf32> to vector<256xf32>
    %broadcast_in_dim3A_31 = vector.shape_cast %reduce_sum3A_30 : vector<256xf32> to vector<1x256xf32>
    %div3A_32 = arith.constant 1.000000e+04 : f32
    %div3A_33 = vector.broadcast %div3A_32 : f32 to vector<1x256xf32>
    %div3A_34 = arith.divf %broadcast_in_dim3A_31, %div3A_33 : vector<1x256xf32>
    %get3A_35 = arith.constant 0 : index
    %get3A_36 = arith.constant 0 : index
    %get3A_37 = vector.load %arg3[%get3A_35, %get3A_36] : memref<1x256xf32, #tpu.memory_space<vmem>>, vector<1x256xf32>
    %mul3A_38 = vector.broadcast %get3A_37 : vector<1x256xf32> to vector<10000x256xf32>
    %mul3A_39 = arith.mulf %mul3A_38, %sub3A_27 : vector<10000x256xf32>
    %add3A_40 = arith.constant 9.99999974E-6 : f32
    %add3A_41 = vector.broadcast %add3A_40 : f32 to vector<1x256xf32>
    %add3A_42 = arith.addf %div3A_34, %add3A_41 : vector<1x256xf32>
    %rsqrt3A = math.rsqrt %add3A_42 : vector<1x256xf32>
    %mul3A_43 = vector.broadcast %rsqrt3A : vector<1x256xf32> to vector<10000x256xf32>
    %mul3A_44 = arith.mulf %mul3A_39, %mul3A_43 : vector<10000x256xf32>
    %get3A_45 = arith.constant 0 : index
    %get3A_46 = arith.constant 0 : index
    %get3A_47 = vector.load %arg4[%get3A_45, %get3A_46] : memref<1x256xf32, #tpu.memory_space<vmem>>, vector<1x256xf32>
    %add3A_48 = vector.broadcast %get3A_47 : vector<1x256xf32> to vector<10000x256xf32>
    %add3A_49 = arith.addf %mul3A_44, %add3A_48 : vector<10000x256xf32>
    %max3A = arith.constant 0.000000e+00 : f32
    %max3A_50 = vector.broadcast %max3A : f32 to vector<10000x256xf32>
    %max3A_51 = arith.maximumf %add3A_49, %max3A_50 : vector<10000x256xf32>
    %get3A_52 = arith.constant 0 : index
    %get3A_53 = arith.constant 0 : index
    %get3A_54 = vector.load %arg5[%get3A_52, %get3A_53] : memref<256x128xf32, #tpu.memory_space<vmem>>, vector<256x128xf32>
    %dot_general3A_55 = arith.constant dense<0.000000e+00> : vector<10000x128xf32>
    %dot_general3A_56 = tpu.matmul %max3A_51, %get3A_54, %dot_general3A_55 {dimension_numbers = #tpu.dot_dimension_numbers<[1], [0], [0], [1], [0, 0, 1, 1], [], []>, transpose_lhs_hint = false} : vector<10000x256xf32>, vector<256x128xf32>, vector<10000x128xf32> -> vector<10000x128xf32>
    %reduce_sum3A_57 = arith.constant dense<0.000000e+00> : vector<128xf32>
    %reduce_sum3A_58 = vector.multi_reduction <add>, %dot_general3A_56, %reduce_sum3A_57 [0] : vector<10000x128xf32> to vector<128xf32>
    %broadcast_in_dim3A_59 = vector.shape_cast %reduce_sum3A_58 : vector<128xf32> to vector<1x128xf32>
    %div3A_60 = arith.constant 1.000000e+04 : f32
    %div3A_61 = vector.broadcast %div3A_60 : f32 to vector<1x128xf32>
    %div3A_62 = arith.divf %broadcast_in_dim3A_59, %div3A_61 : vector<1x128xf32>
    %sub3A_63 = vector.broadcast %div3A_62 : vector<1x128xf32> to vector<10000x128xf32>
    %sub3A_64 = arith.subf %dot_general3A_56, %sub3A_63 : vector<10000x128xf32>
    %mul3A_65 = arith.mulf %sub3A_64, %sub3A_64 : vector<10000x128xf32>
    %reduce_sum3A_66 = arith.constant dense<0.000000e+00> : vector<128xf32>
    %reduce_sum3A_67 = vector.multi_reduction <add>, %mul3A_65, %reduce_sum3A_66 [0] : vector<10000x128xf32> to vector<128xf32>
    %broadcast_in_dim3A_68 = vector.shape_cast %reduce_sum3A_67 : vector<128xf32> to vector<1x128xf32>
    %div3A_69 = arith.constant 1.000000e+04 : f32
    %div3A_70 = vector.broadcast %div3A_69 : f32 to vector<1x128xf32>
    %div3A_71 = arith.divf %broadcast_in_dim3A_68, %div3A_70 : vector<1x128xf32>
    %get3A_72 = arith.constant 0 : index
    %get3A_73 = arith.constant 0 : index
    %get3A_74 = vector.load %arg6[%get3A_72, %get3A_73] : memref<1x128xf32, #tpu.memory_space<vmem>>, vector<1x128xf32>
    %mul3A_75 = vector.broadcast %get3A_74 : vector<1x128xf32> to vector<10000x128xf32>
    %mul3A_76 = arith.mulf %mul3A_75, %sub3A_64 : vector<10000x128xf32>
    %add3A_77 = arith.constant 9.99999974E-6 : f32
    %add3A_78 = vector.broadcast %add3A_77 : f32 to vector<1x128xf32>
    %add3A_79 = arith.addf %div3A_71, %add3A_78 : vector<1x128xf32>
    %rsqrt3A_80 = math.rsqrt %add3A_79 : vector<1x128xf32>
    %mul3A_81 = vector.broadcast %rsqrt3A_80 : vector<1x128xf32> to vector<10000x128xf32>
    %mul3A_82 = arith.mulf %mul3A_76, %mul3A_81 : vector<10000x128xf32>
    %get3A_83 = arith.constant 0 : index
    %get3A_84 = arith.constant 0 : index
    %get3A_85 = vector.load %arg7[%get3A_83, %get3A_84] : memref<1x128xf32, #tpu.memory_space<vmem>>, vector<1x128xf32>
    %add3A_86 = vector.broadcast %get3A_85 : vector<1x128xf32> to vector<10000x128xf32>
    %add3A_87 = arith.addf %mul3A_82, %add3A_86 : vector<10000x128xf32>
    %max3A_88 = arith.constant 0.000000e+00 : f32
    %max3A_89 = vector.broadcast %max3A_88 : f32 to vector<10000x128xf32>
    %max3A_90 = arith.maximumf %add3A_87, %max3A_89 : vector<10000x128xf32>
    %swap3A = arith.constant 0 : index
    %swap3A_91 = arith.constant 0 : index
    %swap3A_92 = vector.load %arg9[%swap3A, %swap3A_91] : memref<10000x128xf32, #tpu.memory_space<vmem>>, vector<10000x128xf32>
    tpu.vector_store %arg9[%swap3A, %swap3A_91], %max3A_90 {strides = array<i32>} : memref<10000x128xf32, #tpu.memory_space<vmem>>, vector<10000x128xf32>,
    return
  }
}

</mosaic_0001>

<sc_bundles>
// kernel: kernel.4.cloned.1.call-start
scs
__scs_entry_jumppad:
0x0: {  	(pc) =	sbr.rel $0x88, $3  }
0x1: {  	(tag) =	ssettag $0x0;
	lr =	simm.s32 $0x1  }
0x2: {  	[smem:$0x3F97] =	sst lr;
	_ =	strace $0xD0000000  }
0x3: {  	_ = 	snop  }
0x4: {  	_ = 	snop  }
0x5: {  	_ = 	snop  }
0x6: {  	_ = 	snop  }
0x7: {  	_ = 	snop  }
__scs_overlays_trampoline_lowered:
0x8: {  	[smem:$0x3FA6] =	sst s0  }
0x9: {  	[smem:$0x3FA7] =	sst s1  }
0xa: {  	[smem:$0x3FA8] =	sst s2  }
0xb: {  	[smem:$0x3FA9] =	sst s3  }
0xc: {  	[smem:$0x3FAA] =	sst s4  }
0xd: {  	[smem:$0x3FAB] =	sst s5  }
0xe: {  	[smem:$0x3FAC] =	sst s6  }
0xf: {  	[smem:$0x3FAD] =	sst s7  }
0x10: {  	[smem:$0x3FAE] =	sst s8  }
0x11: {  	[smem:$0x3FAF] =	sst s9;
	s0 =	simm.s32 @!p0 $0x0  }
0x12: {  	s1 =	sld [smem:$0x3F95];
	s0 =	simm.s32 @p0 $0x1  }
0x13: {  	[smem:$0x3FB0] =	sst s0;
	s0 =	simm.s32 @!p1 $0x0  }
0x14: {  	s2 =	sld [smem:$0x3F94];
	s0 =	simm.s32 @p1 $0x1  }
0x15: {  	[smem:$0x3FB1] =	sst s0;
	s0 =	simm.s32 @!p2 $0x0  }
0x16: {  	s3 =	sld [smem:$0x3FDB];
	s0 =	simm.s32 @p2 $0x1  }
0x17: {  	s4 =	simm.s32 $0x1BF5;
	[smem:$0x3FB3] =	sst s0  }
0x18: {  	s0 =	sld [smem:$0x3F96];
	_ =	swait.ge [sflag:s4], $0x0  }
0x19: {  	s7 =	sld [smem:$0x3F97]  }
0x1a: {  	s8 =	sadd.s32 $0xFFFFE003, lr  }
0x1b: {  	s9 =	sadd.s32 $0xFFFFFEF7, lr;
	s5 =	simm.s32 $0xFFFFFFFF;
	p2 =	slt.u32 s8, $0xFFFFF086  }
0x1c: {  	p1 =	slt.u32 s9, $0xF7A;
	s5 =	simm.s32 @!p2 $0x0  }
0x1d: {  	s5 =	simm.s32 @p1 $0x1;
	p0 =	seq.s32 s7, s2  }
0x1e: {  	s7 =	smul.u32 @!p0 $0xF7A, s2;
	p2 =	seq.s32 @!p0 s5, $0x0  }
0x1f: {  	s9 =	smul.u32 $0xF7A, s1;
	s8 =	simm.s32 @!p0 $0x1BF5;
	p2 =	por !p2, p0  }
0x20: {  	[sflag:s8] =	ssyncset.s32 @!p0 $0xFFFFF086;
	s6 =	sadd.s32 @!p0 s3, s7;
	s7 =	simm.s32 @!p0 $0x108  }
0x21: {  	s3 =	sadd.s32 s3, s9;
	s6 =	sadd.s32 @!p0 $0x88, s6;
	s7 =	simm.s32 @p2 $0x1082  }
0x22: {  	[simem:s7], [sflag:s8] =	dma.local @!p0 [hbm:s6], $0xF7A  }
0x23: {  	s9 =	sor.u32 $0xD0000000, s2;
	s6 =	simm.s32 $0x108;
	_ =	swait.ge @!p0 [sflag:s8], $0x0  }
0x24: {  	s3 =	sadd.s32 $0x88, s3;
	s6 =	simm.s32 @!p1 $0x1082;
	[sflag:s4] =	ssyncset.s32 $0xFFFFF086  }
0x25: {  	[simem:s6], [sflag:s4] =	dma.local [hbm:s3], $0xF7A  }
0x26: {  	[smem:$0x3F97] =	sst s1;
	(tag) =	ssettag s2;
	_ =	strace s9  }
0x27: {  	s1 =	sld [smem:$0x3FA7]  }
0x28: {  	s2 =	sld [smem:$0x3FA8]  }
0x29: {  	s4 =	sld [smem:$0x3FAA]  }
0x2a: {  	p0 =	seq.s32 s5, $0x0;
	s5 =	sld [smem:$0x3FAB]  }
0x2b: {  	s6 =	sld [smem:$0x3FAC]  }
0x2c: {  	s7 =	sld [smem:$0x3FAD]  }
0x2d: {  	s3 =	simm.s32 $0x108;
	s8 =	sld [smem:$0x3FAE]  }
0x2e: {  	s3 =	simm.s32 @!p0 $0x1082;
	s9 =	sld [smem:$0x3FAF]  }
0x2f: {  	lr =	sadd.s32 s0, s3;
	s0 =	sld [smem:$0x3FA6]  }
0x30: {  	s3 =	sld [smem:$0x3FA9]  }
0x31: {  	[smem:$0x3FB2] =	sst s10  }
0x32: {  	s10 =	sld [smem:$0x3FB0];
	_ =	sdelay $0x3  }
0x33: {  	p0 =	seq.s32 s10, $0x1;
	s10 =	sld [smem:$0x3FB2];
	_ =	sdelay $0x3  }
0x34: {  	[smem:$0x3FB2] =	sst s10  }
0x35: {  	s10 =	sld [smem:$0x3FB1];
	_ =	sdelay $0x3  }
0x36: {  	p1 =	seq.s32 s10, $0x1;
	s10 =	sld [smem:$0x3FB2];
	_ =	sdelay $0x3  }
0x37: {  	[smem:$0x3FB2] =	sst s10  }
0x38: {  	s10 =	sld [smem:$0x3FB3]  }
0x39: {  	_ = 	snop;
	(pc) =	sbr.ind lr, $3  }
0x3a: {  	_ = 	snop  }
0x3b: {  	_ = 	snop  }
0x3c: {  	p2 =	seq.s32 s10, $0x1;
	s10 =	sld [smem:$0x3FB2]  }
0x3d: {  	_ =	shalt  }
0x3e: {  	_ =	shalt  }
0x3f: {  	_ =	shalt  }
0x40: {  	_ =	shalt  }
0x41: {  	_ =	shalt  }
0x42: {  	_ =	shalt  }
0x43: {  	_ =	shalt  }
0x44: {  	_ =	shalt  }
0x45: {  	_ =	shalt  }
0x46: {  	_ =	shalt  }
0x47: {  	_ =	shalt  }
0x48: {  	_ =	shalt  }
0x49: {  	_ =	shalt  }
0x4a: {  	_ =	shalt  }
0x4b: {  	_ =	shalt  }
0x4c: {  	_ =	shalt  }
0x4d: {  	_ =	shalt  }
0x4e: {  	_ =	shalt  }
0x4f: {  	_ =	shalt  }
0x50: {  	_ =	shalt  }
0x51: {  	_ =	shalt  }
0x52: {  	_ =	shalt  }
0x53: {  	_ =	shalt  }
0x54: {  	_ =	shalt  }
0x55: {  	_ =	shalt  }
0x56: {  	_ =	shalt  }
0x57: {  	_ =	shalt  }
0x58: {  	_ =	shalt  }
0x59: {  	_ =	shalt  }
0x5a: {  	_ =	shalt  }
0x5b: {  	_ =	shalt  }
0x5c: {  	_ =	shalt  }
0x5d: {  	_ =	shalt  }
0x5e: {  	_ =	shalt  }
0x5f: {  	_ =	shalt  }
0x60: {  	_ =	shalt  }
0x61: {  	_ =	shalt  }
0x62: {  	_ =	shalt  }
0x63: {  	_ =	shalt  }
0x64: {  	_ =	shalt  }
0x65: {  	_ =	shalt  }
0x66: {  	_ =	shalt  }
0x67: {  	_ =	shalt  }
0x68: {  	_ =	shalt  }
0x69: {  	_ =	shalt  }
0x6a: {  	_ =	shalt  }
0x6b: {  	_ =	shalt  }
0x6c: {  	_ =	shalt  }
0x6d: {  	_ =	shalt  }
0x6e: {  	_ =	shalt  }
0x6f: {  	_ =	shalt  }
0x70: {  	_ =	shalt  }
0x71: {  	_ =	shalt  }
0x72: {  	_ =	shalt  }
0x73: {  	_ =	shalt  }
0x74: {  	_ =	shalt  }
0x75: {  	_ =	shalt  }
0x76: {  	_ =	shalt  }
0x77: {  	_ =	shalt  }
0x78: {  	_ =	shalt  }
0x79: {  	_ =	shalt  }
0x7a: {  	_ =	shalt  }
0x7b: {  	_ =	shalt  }
0x7c: {  	_ =	shalt  }
0x7d: {  	_ =	shalt  }
0x7e: {  	_ =	shalt  }
0x7f: {  	_ =	shalt  }
0x80: {  	_ =	shalt  }
0x81: {  	_ =	shalt  }
0x82: {  	_ =	shalt  }
0x83: {  	_ =	shalt  }
0x84: {  	_ =	shalt  }
0x85: {  	_ =	shalt  }
0x86: {  	_ =	shalt  }
0x87: {  	_ =	shalt  }
.Lfunc_end0:
.L_simem_size_0:
called_computation_lowered:
.L_overlay_start_0:
0x88: {  	s2 =	sld [smem:$0x3FD9]  }
0x89: {  	s3 =	sld [smem:$0x3FFE];
	_ =	sdelay $0x1  }
0x8a: {  	s1 =	srdreg.scid  }
0x8b: {  	s0 =	sand.u32 $0x1, s1  }
0x8c: {  	s17 =	sshll.u32 s0, $0xA;
	s2 =	sadd.s32 s3, s2  }
0x8d: {  	s2 =	sadd.s32 s2, s17  }
0x8e: {  	[smem:$0x3FBE] =	sst s2  }
0x8f: {  	_ = 	snop  }
0x90: {  	s2 =	sld [smem:$0x3FC9]  }
0x91: {  	s18 =	sld [smem:$0x3FC8]  }
0x92: {  	s4 =	sld [smem:$0x3FD0];
	(tm) =	ssettm $0x1  }
0x93: {  	s5 =	sld [smem:$0x3FFB];
	_ =	sdelay $0x3  }
0x94: {  	_ =	strace s5  }
0x95: {  	s5 =	sld [smem:$0x3FFC];
	_ =	sdelay $0x3  }
0x96: {  	_ =	strace s5  }
0x97: {  	s5 =	sld [smem:$0x3FFD];
	_ =	sdelay $0x3  }
0x98: {  	_ =	strace s5  }
0x99: {  	_ =	strace $0x8FFFFFFF  }
0x9a: {  	s19 =	sld [smem:$0x3FDB];
	_ =	sdelay $0x1  }
0x9b: {  	s6 =	simm.s32 $_scs_section_size  }
0x9c: {  	s7 =	simm.s32 $_size__tile_overlayer_lowered;
	s8 =	simm.s32 $_tile_overlayer_lowered  }
0x9d: {  	s22 =	simm.s32 $0x1BFF;
	s21 =	sshll.u32 s8, $0x1;
	s5 =	sadd.s32 s6, s19  }
0x9e: {  	s9 =	simm.s32 $0x0;
	s20 =	sshll.u32 s7, $0x1;
	s7 =	sadd.s32 s21, s5  }
0x9f: {  	[timem:s9], [sflag:s22] =	dma.local [hbm:s7], s20  }
0xa0: {  	_ =	swait.ge [sflag:s22], s20  }
0xa1: {  	s6 =	ssub.s32 $0x0, s20;
	[sflag:s22] =	ssyncset.done $0x0  }
0xa2: {  	[sflag:s22] =	ssyncadd.s32 s6;
	_ =	sdelay $0x1  }
0xa3: {  	s23 =	simm.s32 $0x1B8B  }
0xa4: {  	_ =	swait.ge [sflag:s23], $0x1  }
0xa5: {  	[sflag:s23] =	ssyncset.done $0x0  }
0xa6: {  	s25 =	simm.s32 $0x1B8E;
	s24 =	sld [smem:$0x3FFE];
	[sflag:s23] =	ssyncadd.s32 $0xFFFFFFFF  }
0xa7: {  	s26 =	simm.s32 $execute0_lowered;
	[smem:$0x3FD2] =	sst s25  }
0xa8: {  	s7 =	sshll.u32 s26, $0x1;
	_ =	strace $0x80000046;
	[dreg:$0x1] =	wrdreg $0xFFFFFFFF  }
0xa9: {  	s28 =	simm.s32 $_size_execute0_lowered;
	s5 =	sadd.s32 s5, s7;
	[dreg:$0x0] =	wrdreg $0x0  }
0xaa: {  	s7 =	sshll.u32 s28, $0x1;
	[dreg:$0x2] =	wrdreg s5  }
0xab: {  	[dreg:$0x3] =	wrdreg s7  }
0xac: {  	[dreg:$0x4] =	wrdreg $0xC0  }
0xad: {  	_ =	task [dreg:s9], $0x5FFFF  }
0xae: {  	[dreg:$0x1] =	wrdreg $0xFFFFFFFF  }
0xaf: {  	[dreg:$0x0] =	wrdreg $0x60  }
0xb0: {  	[dreg:$0x2] =	wrdreg s2  }
0xb1: {  	[dreg:$0x3] =	wrdreg s18  }
0xb2: {  	[dreg:$0x4] =	wrdreg s24  }
0xb3: {  	[dreg:$0x5] =	wrdreg s4  }
0xb4: {  	[dreg:$0x6] =	wrdreg $0x46000  }
0xb5: {  	[dreg:$0x7] =	wrdreg $0x9  }
0xb6: {  	_ =	task.clear_ibuf [dreg:s9], $0x8FFFF;
	_ =	strace $0x90000046  }
0xb7: {  	s29 =	simm.s32 $0x9;
	_ =	strace $0x80000048  }
0xb8: {  	_ =	swait.ge [sflag:s29], $0x1  }
0xb9: {  	[sflag:s29] =	ssyncadd.s32 $0xFFFFFFFF  }
0xba: {  	_ =	strace $0x90000048  }
0xbb: {  	_ =	sfence  }
0xbc: {  	s30 =	sld [smem:$0x0];
	_ =	sdelay $0x2  }
0xbd: {  	s31 =	sshll.u32 s1, $0xD;
	s1 =	sshrl.u32 s1, $0x2  }
0xbe: {  	s3 =	sand.u32 $0x4000, s31;
	s1 =	sadd.s32 s1, s30  }
0xbf: {  	s0 =	sor.u32 s3, s0;
	s1 =	sshll.u32 s1, $0x11  }
0xc0: {  	s0 =	sor.u32 s1, s0  }
0xc1: {  	s0 =	sadd.s32 $0x8F2B, s0  }
0xc2: {  	[sflag:s0] =	ssyncadd.remote.s32 $0x1  }
0xc3: {  	_ =	sfence.sel $0xFFFF  }
0xc4: {  	[dreg:$0x0] =	wrdreg $0xFFFFFFFF;
	(pc) =	sbr.abs _section_cstart, $3  }
0xc5: {  	[dreg:$0x1] =	wrdreg $0xFFFFFFFF  }
0xc6: {  	_ =	task.clear_ibuf [dreg:s9], $0x2FFFF;
	_ =	strace $0x9FFFFFFF  }
0xc7: {  	(tm) =	ssettm $0x7FFFFFFF  }
tec
execute0_lowered:
.L_overlay_start_1:
0x0: {  	(tag) =	ssettag $0x1  }
0x1: {  	s1 =	rddreg [dreg:$0x0]  }
0x2: {  	s0 =	rddreg [dreg:$0x1]  }
0x3: {  	s3 =	rddreg [dreg:$0x2]  }
0x4: {  	s5 =	rddreg [dreg:$0x3];
	s17 =	stileid.u32  }
0x5: {  	s2 =	rddreg [dreg:$0x4];
	s15 =	smul.u32 $0x4E000, s17  }
0x6: {  	s4 =	srdreg.scid;
	s19 =	smul.u32 $0x2700, s17  }
0x7: {  	s29 =	simm.s32 $0xD;
	s6 =	sand.u32 $0x1, s4;
	s22 =	smul.u32 $0x274, s17  }
0x8: {  	s4 =	simm.s32 $0x0;
	s9 =	sadd.s32 $0xC00, s3;
	s8 =	smul.u32 $0x27100, s6  }
0x9: {  	s10 =	sadd.s32 $0xAA00, s3;
	p1 =	sne.s32 s17, $0xF;
	s31 =	smul.u32 $0x2740, s6  }
0xa: {  	s7 =	sshll.u32 s6, $0x4;
	[smem:$0x7FF] =	sst s4;
	s25 =	smul.u32 $0x274000, s6  }
0xb: {  	s28 =	ssub.s32 $0x2, s6;
	s6 =	smul.u32 $0x4E80, s6;
	s7 =	sor.u32 s17, s7  }
0xc: {  	_ =	strace $0x80000047;
	s13 =	sshrl.u32 s28, $0x1;
	s18 =	smul.u32 $0x274, s7  }
0xd: {  	s26 =	sshrl.u32 s15, $0x2;
	[dreg:$0x7] =	wrdreg s19;
	s11 =	smul.u32 $0x4E8, s7  }
0xe: {  	s3 =	sadd.s32 s8, s3;
	s12 =	smul.u32 $0x27400, s7;
	s8 =	ssub.s32 s28, s13  }
0xf: {  	s28 =	smul.u32 $0x27400, s17;
	s6 =	sadd.s32 s6, s10;
	s13 =	sadd.s32 s5, s19  }
0x10: {  	s5 =	sadd.s32 $0x27000, s5;
	p0 =	seq.s32 s7, $0x1F;
	[dreg:$0x10] =	wrdreg s13  }
0x11: {  	s7 =	simm.s32 $0x0;
	[dreg:$0x11] =	wrdreg s5;
	s3 =	sadd.s32 $0x14800, s3  }
0x12: {  	s19 =	smax.u32 s8, $0x1;
	s13 =	simm.s32 $0x10;
	[dreg:$0x12] =	wrdreg s3  }
0x13: {  	s14 =	sor.u32 $0x1, s18;
	s20 =	sadd.s32 s9, s11;
	[dreg:$0x13] =	wrdreg s19  }
0x14: {  	s11 =	sadd.s32 s10, s11;
	s21 =	sadd.s32 s0, s12;
	[dreg:$0x6] =	wrdreg s18  }
0x15: {  	s3 =	simm.s32 $0x7;
	s30 =	sshll.u32 s14, $0x1;
	[dreg:$0xa] =	wrdreg s11  }
0x16: {  	[dreg:$0xb] =	wrdreg s21;
	s24 =	sshll.u32 s14, $0x8;
	s14 =	sadd.s32 s22, s31  }
0x17: {  	[dreg:$0x8] =	wrdreg s20;
	s16 =	sadd.s32 s9, s30;
	s23 =	sadd.s32 s10, s30  }
0x18: {  	s12 =	sadd.s32 s0, s24;
	s11 =	sshll.u32 s14, $0x1;
	[dreg:$0x9] =	wrdreg s16  }
0x19: {  	s0 =	sadd.s32 s25, s0;
	s30 =	smul.u32 $0x4E8, s17;
	[dreg:$0xc] =	wrdreg s23  }
0x1a: {  	s24 =	sadd.s32 $0x4, s20;
	s25 =	sadd.s32 $0x6, s20;
	[dreg:$0xd] =	wrdreg s12  }
0x1b: {  	s12 =	sadd.s32 s26, s2;
	s0 =	sadd.s32 s28, s0;
	[dreg:$0x18] =	wrdreg s24  }
0x1c: {  	s31 =	sadd.s32 $0x8, s11;
	[dreg:$0x19] =	wrdreg s25;
	s26 =	sadd.s32 $0x138000, s2  }
0x1d: {  	s28 =	ssub.s32 $0x4E22, s18;
	[dreg:$0xe] =	wrdreg s12;
	s15 =	sadd.s32 s30, s6  }
0x1e: {  	s16 =	sadd.s32 s31, s9;
	s9 =	sadd.s32 s9, s11;
	[dreg:$0x1a] =	wrdreg s26  }
0x1f: {  	s12 =	sadd.s32 s11, s10;
	s0 =	sadd.s32 $0x300, s0;
	[dreg:$0x1b] =	wrdreg s28  }
0x20: {  	s10 =	sadd.s32 s31, s10;
	s30 =	ssub.s32 $0x4E21, s18;
	[dreg:$0x15] =	wrdreg s0  }
0x21: {  	s11 =	simm.s32 $0x1D;
	s26 =	simm.s32 $0x3;
	[dreg:$0x1c] =	wrdreg s30  }
0x22: {  	s6 =	simm.s32 $0x5;
	s21 =	sadd.s32 $0xC, s9;
	[dreg:$0xf] =	wrdreg s10  }
.Ltmp0:
0x23: {  	s22 =	sadd.s32 $0x6, s12;
	[dreg:$0x14] =	wrdreg s21;
	(pc) =	sbr.rel .LBB2_1-.Ltmp0, $4  }
0x24: {  	s0 =	simm.s32 @!p0 $0x0;
	s23 =	sadd.s32 $0x4, s12;
	[dreg:$0x16] =	wrdreg s22  }
0x25: {  	s31 =	sadd.s32 $0x2, s10;
	s9 =	simm.s32 $0x4;
	[dreg:$0x17] =	wrdreg s23  }
0x26: {  	s10 =	simm.s32 $0x15;
	s0 =	simm.s32 @p0 $0x1;
	[dreg:$0x1d] =	wrdreg s31  }
0x27: {  	s12 =	simm.s32 $0x17;
	s23 =	simm.s32 $0xF;
	[smem:$0x7FD] =	sst s0  }
.LBB2_9:
0x28: {  	s0 =	simm.s32 $0x19  }
0x29: {  	_ =	swait.ge [sflag:s0], $0x800  }
0x2a: {  	s25 =	sld [smem:$0x7FD];
	_ =	sdelay $0x2  }
0x2b: {  	[sflag:s0] =	ssyncset.done $0x0;
	p0 =	seq.s32 s25, $0x1  }
0x2c: {  	[sflag:s0] =	ssyncadd.s32 $0xFFFFF800;
	s0 =	simm.s32 @!p0 $0x1A  }
0x2d: {  	_ =	swait.ge @!p0 [sflag:s0], $0x800  }
0x2e: {  	[sflag:s0] =	ssyncset.done @!p0 $0x0  }
0x2f: {  	[sflag:s0] =	ssyncadd.s32 @!p0 $0xFFFFF800;
	s0 =	simm.s32 @!p0 $0x1B  }
0x30: {  	_ =	swait.ge @!p0 [sflag:s0], $0x800  }
0x31: {  	s5 =	simm.s32 @!p0 $0x1C;
	[sflag:s0] =	ssyncset.done @!p0 $0x0  }
0x32: {  	s5 =	simm.s32 @p0 $0x1B;
	[sflag:s0] =	ssyncadd.s32 @!p0 $0xFFFFF800  }
0x33: {  	_ =	swait.ge [sflag:s5], $0x800  }
0x34: {  	[sflag:s5] =	ssyncset.done $0x0  }
0x35: {  	[sflag:s5] =	ssyncadd.s32 $0xFFFFF800  }
0x36: {  	[bflag:$0x0] =	sbarrier.arrive $0xFFFF  }
0x37: {  	s28 =	rddreg [dreg:$0x7]  }
0x38: {  	s8 =	sld [smem:$0x7FB]  }
0x39: {  	s5 =	rddreg [dreg:$0x12]  }
0x3a: {  	s11 =	simm.s32 $0x1D;
	s7 =	rddreg [dreg:$0x1f];
	s0 =	sadd.s32 s28, s5  }
0x3b: {  	[hbm:s0], [sflag:s7] =	dma.local [spmem:s8], $0x2700  }
0x3c: {  	_ =	swait.ge [sflag:s11], $0x2700  }
0x3d: {  	s0 =	sadd.s32 @!p1 $0x27000, s5;
	s5 =	sld [smem:$0x7FC]  }
0x3e: {  	[sflag:s11] =	ssyncset.done $0x0  }
0x3f: {  	[sflag:s11] =	ssyncadd.s32 $0xFFFFD900  }
0x40: {  	[hbm:s0], [sflag:s7] =	dma.local @!p1 [spmem:s5], $0x100  }
0x41: {  	s0 =	simm.s32 @!p1 $0x1D  }
0x42: {  	_ =	swait.ge @!p1 [sflag:s0], $0x100  }
0x43: {  	s30 =	rddreg [dreg:$0x1e]  }
0x44: {  	s31 =	rddreg [dreg:$0x13];
	s7 =	sadd.s32 $0x1, s30  }
0x45: {  	p0 =	sne.s32 s7, s31  }
.Ltmp1:
0x46: {  	_ = 	snop;
	(pc) =	sbr.rel @!p0 .LBB2_10-.Ltmp1, $3  }
0x47: {  	_ =	sdelay $0x1  }
0x48: {  	[sflag:s0] =	ssyncset.done @!p1 $0x0  }
0x49: {  	[sflag:s0] =	ssyncadd.s32 @!p1 $0xFFFFFF00  }
.LBB2_1:
0x4a: {  	[dreg:$0x1e] =	wrdreg s7  }
0x4b: {  	s0 =	rddreg [dreg:$0x8];
	s5 =	simm.s32 $0x4000  }
0x4c: {  	[tilespmem:s5], [sflag:$0x1] =	stream.linear.gather [hbm4b:s0+s4], $0x10, $0x38;
	[tilespmem:$0x17EC0] =	vst v63  }
0x4d: {  	s8 =	rddreg [dreg:$0x9];
	s17 =	simm.s32 $0x4080  }
0x4e: {  	[tilespmem:s17], [sflag:$0x2] =	stream.linear.gather [hbm4b:s8+s4], $0x10, $0x38;
	[tilespmem:$0x17EC0] =	vst v63  }
0x4f: {  	s18 =	rddreg [dreg:$0x18];
	s8 =	simm.s32 $0x4100  }
0x50: {  	[tilespmem:s8], [sflag:$0x3] =	stream.linear.gather [hbm4b:s18+s4], $0x10, $0x38;
	[tilespmem:$0x17EC0] =	vst v63  }
0x51: {  	s19 =	rddreg [dreg:$0x19];
	s20 =	simm.s32 $0x4180;
	s21 =	simm.s32 $0x1  }
0x52: {  	[tilespmem:s20], [sflag:$0x4] =	stream.linear.gather [hbm4b:s19+s4], $0x10, $0x38;
	[tilespmem:$0x17EC0] =	vst v63  }
0x53: {  	_ =	swait.ge [sflag:s21], $0x10  }
0x54: {  	[sflag:s21] =	ssyncset.done $0x0  }
0x55: {  	[sflag:s21] =	ssyncadd.s32 $0xFFFFFFF0  }
0x56: {  	[tilespmem:s4], [sflag:$0xD] =	stream.indirect.gather [hbm4b:s1+s13], $0x80, s5, s13, $0xb8;
	[tilespmem:$0x17EC0] =	vst v63  }
0x57: {  	s24 =	simm.s32 $0x4200;
	s22 =	rddreg [dreg:$0xa]  }
0x58: {  	[tilespmem:s24], [sflag:$0x5] =	stream.linear.gather [hbm4b:s22+s4], $0x10, $0x38;
	[tilespmem:$0x17EC0] =	vst v63  }
0x59: {  	s30 =	simm.s32 $0x800;
	s25 =	rddreg [dreg:$0xb]  }
0x5a: {  	[tilespmem:s30], [sflag:$0xE] =	stream.linear.gather [hbm4b:s25+s4], $0x800, $0x38;
	[tilespmem:$0x17EC0] =	vst v63  }
0x5b: {  	s31 =	simm.s32 $0x4280;
	s5 =	simm.s32 $0x2  }
0x5c: {  	[tilespmem:s31], [sflag:$0x6] =	stream.linear.gather [hbm4b:s22+s4], $0x10, $0x38;
	[tilespmem:$0x17EC0] =	vst v63  }
0x5d: {  	_ =	swait.ge [sflag:s5], $0x10  }
0x5e: {  	s8 =	simm.s32 $0x1000;
	[sflag:s5] =	ssyncset.done $0x0;
	s19 =	rddreg [dreg:$0xd]  }
0x5f: {  	s18 =	simm.s32 $0x4300;
	s25 =	rddreg [dreg:$0xe];
	[sflag:s5] =	ssyncadd.s32 $0xFFFFFFF0  }
0x60: {  	[tilespmem:s8], [sflag:$0xF] =	stream.indirect.gather [hbm4b:s1+s13], $0x80, s17, s13, $0xb8;
	[tilespmem:$0x17EC0] =	vst v63  }
0x61: {  	s20 =	simm.s32 $0x1800;
	s22 =	stileid.u32;
	s17 =	rddreg [dreg:$0xc]  }
0x62: {  	[tilespmem:s18], [sflag:$0x7] =	stream.linear.gather [hbm4b:s17+s4], $0x10, $0x38;
	[tilespmem:$0x17EC0] =	vst v63  }
0x63: {  	s24 =	sshll.u32 s22, $0x6;
	s31 =	rddreg [dreg:$0x10];
	s30 =	sshrl.u32 s25, $0x3  }
0x64: {  	[tilespmem:s20], [sflag:$0x10] =	stream.linear.gather [hbm4b:s19+s4], $0x800, $0x38;
	[tilespmem:$0x17EC0] =	vst v63  }
0x65: {  	s21 =	simm.s32 $0x4380;
	s5 =	sor.u32 $0x1C1D, s24;
	[smem:$0x7FB] =	sst s30  }
0x66: {  	[tilespmem:s21], [sflag:$0x8] =	stream.linear.gather [hbm4b:s17+s4], $0x10, $0x38;
	[tilespmem:$0x17EC0] =	vst v63  }
0x67: {  	[spmem:s30], [sflag:s5] =	dma.local [hbm:s31], $0x2700  }
0x68: {  	_ =	swait.ge [sflag:s11], $0x2700;
	[dreg:$0x1f] =	wrdreg s5  }
0x69: {  	s0 =	rddreg [dreg:$0x1a]  }
0x6a: {  	[sflag:s11] =	ssyncset.done $0x0;
	s7 =	sshrl.u32 @!p1 s0, $0x3;
	s0 =	rddreg [dreg:$0x11]  }
0x6b: {  	[sflag:s11] =	ssyncadd.s32 $0xFFFFD900;
	[smem:$0x7FC] =	sst s7  }
0x6c: {  	[spmem:s7], [sflag:s5] =	dma.local @!p1 [hbm:s0], $0x100  }
0x6d: {  	s5 =	simm.s32 @!p1 $0x1D  }
.Ltmp2:
0x6e: {  	_ =	swait.ge @!p1 [sflag:s5], $0x100;
	(pc) =	sbr.rel .LBB2_2-.Ltmp2, $4  }
0x6f: {  	[sflag:s5] =	ssyncset.done @!p1 $0x0  }
0x70: {  	[sflag:s5] =	ssyncadd.s32 @!p1 $0xFFFFFF00  }
0x71: {  	[bflag:$0x0] =	sbarrier.arrive $0xFFFF  }
0x72: {  	s8 =	simm.s32 $0x0;
	s7 =	simm.s32 $0x0;
	s28 =	rddreg [dreg:$0x15]  }
.LBB2_8:
0x73: {  	s17 =	sadd.s32 $0x3, s17;
	s0 =	rddreg [dreg:$0x6]  }
0x74: {  	p3 =	sgt.u32 s17, $0x4E1F;
	s30 =	sadd.s32 s0, s22  }
0x75: {  	s17 =	simm.s32 @!p3 $0x0;
	s19 =	simm.s32 @!p3 $0x3800;
	s21 =	sadd.s32 @!p3 s7, s15  }
0x76: {  	[tilespmem:s19], [sflag:$0x14] =	stream.linear.gather @!p3 [hbm4b:s28+s17], $0x800, $0x38;
	[tilespmem:$0x17EC0] =	vst v63  }
0x77: {  	p5 =	sgt.u32 s30, $0x4E1F;
	s24 =	sadd.s32 @!p3 $0x6, s21;
	s21 =	simm.s32 @!p3 $0x4580  }
0x78: {  	[tilespmem:s21], [sflag:$0xC] =	stream.linear.gather @!p3 [hbm4b:s24+s17], $0x10, $0x38;
	[tilespmem:$0x17EC0] =	vst v63  }
0x79: {  	s17 =	simm.s32 @!p5 $0x10  }
0x7a: {  	_ =	swait.ge @!p5 [sflag:s17], $0x800  }
0x7b: {  	[sflag:s17] =	ssyncset.done @!p5 $0x0  }
0x7c: {  	s22 =	simm.s32 @!p5 $0x8;
	[sflag:s17] =	ssyncadd.s32 @!p5 $0xFFFFF800  }
0x7d: {  	_ =	swait.ge @!p5 [sflag:s22], $0x10  }
0x7e: {  	[sflag:s22] =	ssyncset.done @!p5 $0x0  }
0x7f: {  	s24 =	simm.s32 @!p5 $0x1800;
	[sflag:s22] =	ssyncadd.s32 @!p5 $0xFFFFFFF0;
	s22 =	simm.s32 @!p5 $0x4380  }
0x80: {  	[spmem:s2] =	stream.indirect.scatter.add.f32 @!p5 [tilespmem:s24], [sflag:$0x18], $0x80, s22, s17, $0xb8;
	[tilespmem:$0x17EC0] =	vst v63  }
0x81: {  	_ =	swait.ge [sflag:s10], $0x800  }
0x82: {  	[sflag:s10] =	ssyncset.done $0x0  }
0x83: {  	s17 =	simm.s32 @p2 $0x11;
	[sflag:s10] =	ssyncadd.s32 $0xFFFFF800  }
0x84: {  	_ =	swait.ge @p2 [sflag:s17], $0x800  }
0x85: {  	[sflag:s17] =	ssyncset.done @p2 $0x0  }
0x86: {  	[sflag:s17] =	ssyncadd.s32 @p2 $0xFFFFF800;
	s17 =	simm.s32 @p2 $0x9  }
0x87: {  	_ =	swait.ge @p2 [sflag:s17], $0x10  }
0x88: {  	s22 =	simm.s32 @p2 $0x10;
	[sflag:s17] =	ssyncset.done @p2 $0x0  }
0x89: {  	s24 =	simm.s32 @p2 $0x2000;
	[sflag:s17] =	ssyncadd.s32 @p2 $0xFFFFFFF0;
	s17 =	simm.s32 @p2 $0x4400  }
0x8a: {  	[spmem:s2] =	stream.indirect.scatter.add.f32 @p2 [tilespmem:s24], [sflag:$0x19], $0x80, s17, s22, $0xb8;
	[tilespmem:$0x17EC0] =	vst v63  }
0x8b: {  	s17 =	simm.s32 @!p2 $0x1  }
0x8c: {  	_ =	swait.ge @!p2 [sflag:s17], $0x10  }
0x8d: {  	s24 =	simm.s32 @!p2 $0x4000;
	[sflag:s17] =	ssyncset.done @!p2 $0x0  }
0x8e: {  	s0 =	rddreg [dreg:$0xf];
	[sflag:s17] =	ssyncadd.s32 @!p2 $0xFFFFFFF0;
	s17 =	simm.s32 @!p2 $0x10  }
0x8f: {  	[tilespmem:s31], [sflag:$0xD] =	stream.indirect.gather @!p2 [hbm4b:s1+s17], $0x80, s24, s17, $0xb8;
	[tilespmem:$0x17EC0] =	vst v63  }
0x90: {  	s25 =	simm.s32 @!p2 $0x4200;
	s24 =	sadd.s32 @!p2 s7, s0  }
0x91: {  	[tilespmem:s25], [sflag:$0x5] =	stream.linear.gather @!p2 [hbm4b:s24+s31], $0x10, $0x38;
	[tilespmem:$0x17EC0] =	vst v63  }
0x92: {  	s24 =	simm.s32 @!p2 $0x11  }
0x93: {  	_ =	swait.ge @!p2 [sflag:s24], $0x800  }
0x94: {  	[sflag:s24] =	ssyncset.done @!p2 $0x0  }
0x95: {  	[sflag:s24] =	ssyncadd.s32 @!p2 $0xFFFFF800;
	s24 =	simm.s32 @!p2 $0x9  }
0x96: {  	_ =	swait.ge @!p2 [sflag:s24], $0x10  }
0x97: {  	s25 =	simm.s32 @!p2 $0x2000;
	[sflag:s24] =	ssyncset.done @!p2 $0x0  }
0x98: {  	s0 =	rddreg [dreg:$0x14];
	[sflag:s24] =	ssyncadd.s32 @!p2 $0xFFFFFFF0;
	s24 =	simm.s32 @!p2 $0x4400  }
0x99: {  	[spmem:s2] =	stream.indirect.scatter.add.f32 @!p2 [tilespmem:s25], [sflag:$0x19], $0x80, s24, s17, $0xb8;
	[tilespmem:$0x17EC0] =	vst v63  }
0x9a: {  	s24 =	sadd.s32 @!p2 s7, s0;
	s25 =	simm.s32 @!p2 $0x4100  }
0x9b: {  	[tilespmem:s25], [sflag:$0x3] =	stream.linear.gather @!p2 [hbm4b:s24+s31], $0x10, $0x38;
	[tilespmem:$0x17EC0] =	vst v63  }
0x9c: {  	s25 =	simm.s32 @!p6 $0x16;
	s24 =	sadd.s32 @!p2 s8, s14  }
0x9d: {  	_ =	swait.ge @!p6 [sflag:s25], $0x800;
	s30 =	sadd.s32 @!p2 $0x4, s24  }
0x9e: {  	[sflag:s25] =	ssyncset.done @!p6 $0x0;
	p0 =	sgt.u32 @!p2 s30, $0x4E1F  }
0x9f: {  	[sflag:s25] =	ssyncadd.s32 @!p6 $0xFFFFF800;
	p0 =	por p0, p2  }
0xa0: {  	s25 =	sadd.s32 @!p0 $0x100, s28;
	s30 =	simm.s32 @!p0 $0x0;
	s0 =	simm.s32 @!p0 $0x800  }
0xa1: {  	[tilespmem:s0], [sflag:$0xE] =	stream.linear.gather @!p0 [hbm4b:s25+s30], $0x800, $0x38;
	[tilespmem:$0x17EC0] =	vst v63  }
0xa2: {  	s0 =	sadd.s32 @!p0 s7, s15  }
0xa3: {  	s25 =	simm.s32 @!p0 $0x4280;
	s0 =	sadd.s32 @!p0 $0x8, s0  }
0xa4: {  	[tilespmem:s25], [sflag:$0x6] =	stream.linear.gather @!p0 [hbm4b:s0+s30], $0x10, $0x38;
	[tilespmem:$0x17EC0] =	vst v63  }
0xa5: {  	s0 =	simm.s32 @!p4 $0x12  }
0xa6: {  	_ =	swait.ge @!p4 [sflag:s0], $0x800  }
0xa7: {  	[sflag:s0] =	ssyncset.done @!p4 $0x0  }
0xa8: {  	[sflag:s0] =	ssyncadd.s32 @!p4 $0xFFFFF800;
	s0 =	simm.s32 @!p4 $0xA  }
0xa9: {  	_ =	swait.ge @!p4 [sflag:s0], $0x10  }
0xaa: {  	[sflag:s0] =	ssyncset.done @!p4 $0x0  }
0xab: {  	[sflag:s0] =	ssyncadd.s32 @!p4 $0xFFFFFFF0;
	s0 =	simm.s32 @!p4 $0x10  }
0xac: {  	[spmem:s2] =	stream.indirect.scatter.add.f32 @!p4 [tilespmem:s11], [sflag:$0x1A], $0x80, s5, s0, $0xb8;
	[tilespmem:$0x17EC0] =	vst v63  }
0xad: {  	_ =	swait.ge [sflag:s12], $0x800  }
0xae: {  	[sflag:s12] =	ssyncset.done $0x0  }
0xaf: {  	s0 =	simm.s32 @p2 $0x13;
	[sflag:s12] =	ssyncadd.s32 $0xFFFFF800  }
0xb0: {  	_ =	swait.ge @p2 [sflag:s0], $0x800  }
0xb1: {  	[sflag:s0] =	ssyncset.done @p2 $0x0  }
0xb2: {  	[sflag:s0] =	ssyncadd.s32 @p2 $0xFFFFF800;
	s0 =	simm.s32 @p2 $0xB  }
0xb3: {  	_ =	swait.ge @p2 [sflag:s0], $0x10  }
0xb4: {  	[sflag:s0] =	ssyncset.done @p2 $0x0  }
0xb5: {  	s5 =	simm.s32 @p2 $0x3000;
	[sflag:s0] =	ssyncadd.s32 @p2 $0xFFFFFFF0;
	s0 =	simm.s32 @p2 $0x4500  }
0xb6: {  	[spmem:s2] =	stream.indirect.scatter.add.f32 @p2 [tilespmem:s5], [sflag:$0x1B], $0x80, s0, s22, $0xb8;
	[tilespmem:$0x17EC0] =	vst v63  }
0xb7: {  	s0 =	simm.s32 @!p2 $0x2  }
0xb8: {  	_ =	swait.ge @!p2 [sflag:s0], $0x10  }
0xb9: {  	[sflag:s0] =	ssyncset.done @!p2 $0x0  }
0xba: {  	[sflag:s0] =	ssyncadd.s32 @!p2 $0xFFFFFFF0;
	s0 =	simm.s32 @!p2 $0x1000  }
0xbb: {  	[tilespmem:s0], [sflag:$0xF] =	stream.indirect.gather @!p2 [hbm4b:s1+s17], $0x80, s18, s17, $0xb8;
	[tilespmem:$0x17EC0] =	vst v63  }
0xbc: {  	s0 =	rddreg [dreg:$0x1d]  }
0xbd: {  	s5 =	simm.s32 @!p2 $0x4300;
	s0 =	sadd.s32 @!p2 s7, s0  }
0xbe: {  	[tilespmem:s5], [sflag:$0x7] =	stream.linear.gather @!p2 [hbm4b:s0+s31], $0x10, $0x38;
	[tilespmem:$0x17EC0] =	vst v63  }
0xbf: {  	s0 =	simm.s32 @!p2 $0x13  }
0xc0: {  	_ =	swait.ge @!p2 [sflag:s0], $0x800  }
0xc1: {  	[sflag:s0] =	ssyncset.done @!p2 $0x0  }
0xc2: {  	[sflag:s0] =	ssyncadd.s32 @!p2 $0xFFFFF800;
	s0 =	simm.s32 @!p2 $0xB  }
0xc3: {  	_ =	swait.ge @!p2 [sflag:s0], $0x10  }
0xc4: {  	[sflag:s0] =	ssyncset.done @!p2 $0x0  }
0xc5: {  	s5 =	simm.s32 @!p2 $0x3000;
	[sflag:s0] =	ssyncadd.s32 @!p2 $0xFFFFFFF0;
	s0 =	simm.s32 @!p2 $0x4500  }
0xc6: {  	[spmem:s2] =	stream.indirect.scatter.add.f32 @!p2 [tilespmem:s5], [sflag:$0x1B], $0x80, s0, s17, $0xb8;
	[tilespmem:$0x17EC0] =	vst v63  }
0xc7: {  	s0 =	sadd.s32 @!p2 $0x6, s20;
	s5 =	simm.s32 @!p2 $0x4180  }
0xc8: {  	[tilespmem:s5], [sflag:$0x4] =	stream.linear.gather @!p2 [hbm4b:s0+s31], $0x10, $0x38;
	[tilespmem:$0x17EC0] =	vst v63  }
0xc9: {  	s0 =	simm.s32 @!p5 $0x18  }
0xca: {  	s5 =	sadd.s32 @!p2 $0x5, s24;
	_ =	swait.ge @!p5 [sflag:s0], $0x800  }
0xcb: {  	p0 =	sgt.u32 @!p2 s5, $0x4E1F;
	[sflag:s0] =	ssyncset.done @!p5 $0x0  }
0xcc: {  	p0 =	por p0, p2;
	[sflag:s0] =	ssyncadd.s32 @!p5 $0xFFFFF800  }
0xcd: {  	s0 =	sadd.s32 @!p0 $0x200, s28;
	s5 =	simm.s32 @!p0 $0x0;
	s11 =	simm.s32 @!p0 $0x1800  }
0xce: {  	[tilespmem:s11], [sflag:$0x10] =	stream.linear.gather @!p0 [hbm4b:s0+s5], $0x800, $0x38;
	[tilespmem:$0x17EC0] =	vst v63  }
0xcf: {  	s0 =	sadd.s32 @!p0 s7, s15  }
0xd0: {  	s11 =	simm.s32 @!p0 $0x4380;
	s0 =	sadd.s32 @!p0 $0xA, s0  }
0xd1: {  	[tilespmem:s11], [sflag:$0x8] =	stream.linear.gather @!p0 [hbm4b:s0+s5], $0x10, $0x38;
	[tilespmem:$0x17EC0] =	vst v63  }
0xd2: {  	s0 =	simm.s32 @!p3 $0x14  }
0xd3: {  	s7 =	sadd.s32 $0x8, s7;
	_ =	swait.ge @!p3 [sflag:s0], $0x800  }
0xd4: {  	p0 =	sne.s32 s7, $0x4E8;
	[sflag:s0] =	ssyncset.done @!p3 $0x0  }
.Ltmp3:
0xd5: {  	[sflag:s0] =	ssyncadd.s32 @!p3 $0xFFFFF800;
	s0 =	simm.s32 @!p3 $0xC;
	(pc) =	sbr.rel @!p0 .LBB2_9-.Ltmp3, $4  }
0xd6: {  	_ =	swait.ge @!p3 [sflag:s0], $0x10  }
0xd7: {  	s8 =	sadd.s32 $0x4, s8;
	[sflag:s0] =	ssyncset.done @!p3 $0x0  }
0xd8: {  	s28 =	sadd.s32 $0x400, s28;
	[sflag:s0] =	ssyncadd.s32 @!p3 $0xFFFFFFF0;
	s0 =	simm.s32 @!p3 $0x10  }
0xd9: {  	[spmem:s2] =	stream.indirect.scatter.add.f32 @!p3 [tilespmem:s19], [sflag:$0x1C], $0x80, s21, s0, $0xb8;
	[tilespmem:$0x17EC0] =	vst v63  }
.LBB2_2:
0xda: {  	p3 =	seq.s32 s7, $0x0  }
0xdb: {  	s5 =	simm.s32 @!p3 $0x19  }
0xdc: {  	_ =	swait.ge @!p3 [sflag:s5], $0x800  }
0xdd: {  	[sflag:s5] =	ssyncset.done @!p3 $0x0  }
0xde: {  	[sflag:s5] =	ssyncadd.s32 @!p3 $0xFFFFF800  }
0xdf: {  	_ =	swait.ge [sflag:s26], $0x10  }
0xe0: {  	s0 =	simm.s32 $0x4100;
	[sflag:s26] =	ssyncset.done $0x0  }
0xe1: {  	s22 =	simm.s32 $0x2000;
	s24 =	rddreg [dreg:$0x17];
	[sflag:s26] =	ssyncadd.s32 $0xFFFFFFF0  }
0xe2: {  	[tilespmem:s22], [sflag:$0x11] =	stream.indirect.gather [hbm4b:s1+s13], $0x80, s0, s13, $0xb8;
	[tilespmem:$0x17EC0] =	vst v63  }
0xe3: {  	s30 =	simm.s32 $0x4400;
	s25 =	sadd.s32 s7, s24  }
0xe4: {  	[tilespmem:s30], [sflag:$0x9] =	stream.linear.gather [hbm4b:s25+s4], $0x10, $0x38;
	[tilespmem:$0x17EC0] =	vst v63  }
0xe5: {  	_ =	swait.ge [sflag:s29], $0x800  }
0xe6: {  	p2 =	seq.s32 s7, $0x4E0;
	[sflag:s29] =	ssyncset.done $0x0  }
.Ltmp4:
0xe7: {  	[sflag:s29] =	ssyncadd.s32 $0xFFFFF800;
	(pc) =	sbr.rel @!p2 .LBB2_3-.Ltmp4, $4  }
0xe8: {  	_ =	swait.ge [sflag:s6], $0x10  }
0xe9: {  	[sflag:s6] =	ssyncset.done $0x0  }
0xea: {  	s31 =	simm.s32 $0x4200;
	[sflag:s6] =	ssyncadd.s32 $0xFFFFFFF0  }
0xeb: {  	[spmem:s2] =	stream.indirect.scatter.add.f32 [tilespmem:s4], [sflag:$0x15], $0x80, s31, s13, $0xb8;
	[tilespmem:$0x17EC0] =	vst v63  }
0xec: {  	s0 =	rddreg [dreg:$0x1b]  }
0xed: {  	p4 =	sge.s32 s8, s0  }
.Ltmp5:
0xee: {  	_ = 	snop;
	(pc) =	sbr.rel @p4 .LBB2_6-.Ltmp5, $4  }
.Ltmp6:
0xef: {  	_ = 	snop;
	(pc) =	sbr.rel @!p4 .LBB2_5-.Ltmp6, $4  }
0xf0: {  	_ = 	snop  }
0xf1: {  	_ = 	snop  }
0xf2: {  	_ = 	snop  }
0xf3: {  	_ = 	snop  }
.LBB2_3:
0xf4: {  	s5 =	sadd.s32 s7, s16;
	s0 =	simm.s32 $0x4000  }
0xf5: {  	[tilespmem:s0], [sflag:$0x1] =	stream.linear.gather [hbm4b:s5+s4], $0x10, $0x38;
	[tilespmem:$0x17EC0] =	vst v63  }
0xf6: {  	s0 =	rddreg [dreg:$0x1b]  }
0xf7: {  	p4 =	slt.s32 @!p3 s8, s0  }
0xf8: {  	p4 =	por p3, !p4  }
.Ltmp7:
0xf9: {  	_ = 	snop;
	(pc) =	sbr.rel @p4 .LBB2_6-.Ltmp7, $1  }
0xfa: {  	_ =	sdelay $0x3  }
.LBB2_5:
0xfb: {  	s0 =	simm.s32 $0x1A  }
0xfc: {  	_ =	swait.ge [sflag:s0], $0x800  }
0xfd: {  	[sflag:s0] =	ssyncset.done $0x0  }
0xfe: {  	[sflag:s0] =	ssyncadd.s32 $0xFFFFF800  }
.LBB2_6:
0xff: {  	s17 =	sadd.s32 s8, s14  }
0x100: {  	s5 =	sadd.s32 $0x2, s17  }
0x101: {  	p4 =	sgt.u32 s5, $0x4E1F  }
0x102: {  	s5 =	sadd.s32 @!p4 $0xFFFFFF00, s28;
	s18 =	simm.s32 @!p4 $0x0;
	s11 =	simm.s32 @!p4 $0x2800  }
0x103: {  	[tilespmem:s11], [sflag:$0x12] =	stream.linear.gather @!p4 [hbm4b:s5+s18], $0x800, $0x38;
	[tilespmem:$0x17EC0] =	vst v63  }
0x104: {  	s5 =	sadd.s32 @!p4 s7, s15  }
0x105: {  	p6 =	sgt.u32 s17, $0x4E1F;
	s19 =	sadd.s32 @!p4 $0x4, s5;
	s5 =	simm.s32 @!p4 $0x4480  }
0x106: {  	[tilespmem:s5], [sflag:$0xA] =	stream.linear.gather @!p4 [hbm4b:s19+s18], $0x10, $0x38;
	[tilespmem:$0x17EC0] =	vst v63  }
0x107: {  	s18 =	simm.s32 @!p6 $0xE  }
0x108: {  	_ =	swait.ge @!p6 [sflag:s18], $0x800  }
0x109: {  	[sflag:s18] =	ssyncset.done @!p6 $0x0  }
0x10a: {  	[sflag:s18] =	ssyncadd.s32 @!p6 $0xFFFFF800;
	s18 =	simm.s32 @!p6 $0x6  }
0x10b: {  	_ =	swait.ge @!p6 [sflag:s18], $0x10  }
0x10c: {  	s20 =	simm.s32 @!p6 $0x800;
	[sflag:s18] =	ssyncset.done @!p6 $0x0  }
0x10d: {  	s19 =	simm.s32 @!p6 $0x4280;
	[sflag:s18] =	ssyncadd.s32 @!p6 $0xFFFFFFF0;
	s18 =	simm.s32 @!p6 $0x10  }
0x10e: {  	[spmem:s2] =	stream.indirect.scatter.add.f32 @!p6 [tilespmem:s20], [sflag:$0x16], $0x80, s19, s18, $0xb8;
	[tilespmem:$0x17EC0] =	vst v63  }
0x10f: {  	s18 =	simm.s32 @!p3 $0x1B  }
0x110: {  	_ =	swait.ge @!p3 [sflag:s18], $0x800  }
0x111: {  	[sflag:s18] =	ssyncset.done @!p3 $0x0  }
0x112: {  	[sflag:s18] =	ssyncadd.s32 @!p3 $0xFFFFF800  }
0x113: {  	_ =	swait.ge [sflag:s9], $0x10  }
0x114: {  	s0 =	simm.s32 $0x4180;
	[sflag:s9] =	ssyncset.done $0x0  }
0x115: {  	s20 =	simm.s32 $0x3000;
	s21 =	rddreg [dreg:$0x16];
	[sflag:s9] =	ssyncadd.s32 $0xFFFFFFF0  }
0x116: {  	[tilespmem:s20], [sflag:$0x13] =	stream.indirect.gather [hbm4b:s1+s13], $0x80, s0, s13, $0xb8;
	[tilespmem:$0x17EC0] =	vst v63  }
0x117: {  	s24 =	simm.s32 $0x4500;
	s22 =	sadd.s32 s7, s21  }
0x118: {  	[tilespmem:s24], [sflag:$0xB] =	stream.linear.gather [hbm4b:s22+s4], $0x10, $0x38;
	[tilespmem:$0x17EC0] =	vst v63  }
0x119: {  	_ =	swait.ge [sflag:s23], $0x800  }
0x11a: {  	[sflag:s23] =	ssyncset.done $0x0  }
0x11b: {  	p3 =	seq.s32 @!p2 s7, $0x0;
	[sflag:s23] =	ssyncadd.s32 $0xFFFFF800  }
0x11c: {  	s25 =	simm.s32 $0x1000;
	p3 =	por p2, !p3;
	_ =	swait.ge [sflag:s3], $0x10  }
.Ltmp8:
0x11d: {  	s30 =	simm.s32 $0x4300;
	[sflag:s3] =	ssyncset.done $0x0;
	(pc) =	sbr.rel @!p3 .LBB2_8-.Ltmp8, $4  }
0x11e: {  	s31 =	simm.s32 @!p2 $0x0;
	s20 =	sadd.s32 @!p2 s7, s16;
	[sflag:s3] =	ssyncadd.s32 $0xFFFFFFF0  }
0x11f: {  	[spmem:s2] =	stream.indirect.scatter.add.f32 [tilespmem:s25], [sflag:$0x17], $0x80, s30, s13, $0xb8;
	[tilespmem:$0x17EC0] =	vst v63  }
0x120: {  	s18 =	simm.s32 @!p2 $0x4080;
	s19 =	sadd.s32 @!p2 $0x2, s20;
	s22 =	sadd.s32 @!p2 $0x1, s8  }
0x121: {  	[tilespmem:s18], [sflag:$0x2] =	stream.linear.gather @!p2 [hbm4b:s19+s31], $0x10, $0x38;
	[tilespmem:$0x17EC0] =	vst v63  }
0x122: {  	s0 =	rddreg [dreg:$0x1c]  }
.Ltmp9:
0x123: {  	p3 =	sge.s32 s8, s0;
	(pc) =	sbr.rel .LBB2_8-.Ltmp9, $4  }
0x124: {  	s19 =	simm.s32 @!p3 $0x1C  }
0x125: {  	_ =	swait.ge @!p3 [sflag:s19], $0x800  }
0x126: {  	[sflag:s19] =	ssyncset.done @!p3 $0x0  }
0x127: {  	s22 =	simm.s32 @p2 $0x271;
	[sflag:s19] =	ssyncadd.s32 @!p3 $0xFFFFF800  }
.LBB2_10:
0x128: {  	_ =	sfence.sel $0x180000  }
0x129: {  	[bflag:$0x0] =	sbarrier.arrive $0xFFFF  }
0x12a: {  	_ =	strace $0x90000047  }
0x12b: {  	s0 =	stileid.u32;
	[bflag:$0x2] =	sbarrier.arrive $0xFFFF  }
0x12c: {  	p0 =	sne.s32 s0, $0x0;
	s0 =	rddreg [dreg:$0x5]  }
0x12d: {  	s0 =	sadd.s32 @!p0 $0x100000, s0  }
0x12e: {  	[sflag:s0] =	ssyncadd.tile.s32 @!p0 $0x1;
	_ =	shalt  }
.Lfunc_end2:
_tile_overlayer_lowered:
.L_overlay_start_2:
0x12f: {  	(tag) =	ssettag $0x2  }
0x130: {  	s0 =	rddreg [dreg:$0x0];
	s2 =	stileid.u32  }
0x131: {  	s1 =	rddreg [dreg:$0x1];
	p0 =	sne.s32 s2, $0x0  }
0x132: {  	s3 =	rddreg [dreg:$0x2];
	[bflag:$0x3] =	sbarrier.arrive $0xFFFF;
	s2 =	simm.s32 @!p0 $0x1C1D  }
0x133: {  	[timem:s3], [sflag:s2] =	dma.local @!p0 [hbm:s0], s1  }
0x134: {  	s0 =	simm.s32 @!p0 $0x1D  }
0x135: {  	_ =	swait.ge @!p0 [sflag:s0], s1  }
0x136: {  	s1 =	ssub.s32 @!p0 $0x0, s1;
	[sflag:s0] =	ssyncset.done @!p0 $0x0  }
0x137: {  	[sflag:s0] =	ssyncadd.s32 @!p0 s1  }
0x138: {  	[bflag:$0x3] =	sbarrier.arrive $0xFFFF  }
0x139: {  	_ =	shalt  }

</sc_bundles>
